<compile_context>
chip_gen: v7x
topology: tpu7x:2x2x1
jax: 0.10.2.dev20260603
libtpu: 0.0.44.dev20260713+nightly
codegen_flags: <defaults>
</compile_context>

<pallas_src>
import functools

import jax
import jax.numpy as jnp
from jax import lax
from jax.experimental import pallas as pl
from jax.experimental.pallas import tpu as pltpu
from jax.experimental.pallas import tpu_sc as plsc

NUM_G = 256
DIM = 128
HEADS = 4
HEAD_DIM = DIM // HEADS
BLOCK = 4000
WIN = 32


def _pool_body(xb, mapb, ws, bs, wv, bv, rexp, repr_out, s_ref, u_ref):
    i = pl.program_id(0)
    nb = pl.num_programs(0)

    @pl.when(i == 0)
    def _init():
        s_ref[...] = jnp.zeros_like(s_ref)
        u_ref[...] = jnp.zeros_like(u_ref)

    x = xb[...].astype(jnp.bfloat16)
    s = jnp.dot(
        x, ws[...].astype(jnp.bfloat16), preferred_element_type=jnp.float32
    ) + bs[...]
    v = jnp.dot(
        x, wv[...].astype(jnp.bfloat16), preferred_element_type=jnp.float32
    ) + bv[...]
    e = jnp.exp(s)
    idx = mapb[...][0]
    ef = jnp.dot(e, rexp[...], preferred_element_type=jnp.float32)
    w_vals = (ef * v).astype(jnp.bfloat16)
    g0 = jnp.minimum(jnp.min(idx), NUM_G - 1)
    g1 = jnp.minimum(jnp.max(idx), NUM_G - 1)
    w0 = g0 // WIN
    nwin = g1 // WIN - w0 + 1

    def win_body(k, _):
        base = pl.multiple_of((w0 + k) * WIN, WIN)
        gids = base + lax.broadcasted_iota(jnp.int32, (WIN, 1), 0)
        ot = (gids == idx).astype(jnp.float32)
        s_ref[pl.ds(base, WIN), :] += jnp.dot(ot, e, preferred_element_type=jnp.float32)
        u_ref[pl.ds(base, WIN), :] += jnp.dot(
            ot.astype(jnp.bfloat16), w_vals, preferred_element_type=jnp.float32
        )
        return 0

    lax.fori_loop(0, nwin, win_body, 0)

    @pl.when(i == nb - 1)
    def _finish():
        sfull = jnp.dot(s_ref[...], rexp[...], preferred_element_type=jnp.float32)
        repr_out[...] = u_ref[...] / (sfull + 1e-9)


def _pool(x_pad, map3, w_score, b_score, w_val, b_val, rexp):
    nb = x_pad.shape[0] // BLOCK
    return pl.pallas_call(
        _pool_body,
        grid=(nb,),
        in_specs=[
            pl.BlockSpec((BLOCK, DIM), lambda i: (i, 0)),
            pl.BlockSpec((1, 1, BLOCK), lambda i: (i, 0, 0)),
            pl.BlockSpec((DIM, HEADS), lambda i: (0, 0)),
            pl.BlockSpec((1, HEADS), lambda i: (0, 0)),
            pl.BlockSpec((DIM, DIM), lambda i: (0, 0)),
            pl.BlockSpec((1, DIM), lambda i: (0, 0)),
            pl.BlockSpec((HEADS, DIM), lambda i: (0, 0)),
        ],
        out_specs=pl.BlockSpec((NUM_G, DIM), lambda i: (0, 0)),
        out_shape=jax.ShapeDtypeStruct((NUM_G, DIM), jnp.float32),
        scratch_shapes=[
            pltpu.VMEM((NUM_G, HEADS), jnp.float32),
            pltpu.VMEM((NUM_G, DIM), jnp.float32),
        ],
        compiler_params=pltpu.CompilerParams(
            dimension_semantics=("arbitrary",),
        ),
    )(x_pad, map3, w_score, b_score, w_val, b_val, rexp)


STEP_ROWS = 224
ROWS_PER_W = 3136


def _lift(repr_flat, idx1d, n):
    info = plsc.get_sparse_core_info()
    nc, ns = info.num_cores, info.num_subcores
    nw = nc * ns
    rows_per_w = ROWS_PER_W
    steps = rows_per_w // STEP_ROWS

    @functools.partial(
        pl.kernel,
        mesh=plsc.VectorSubcoreMesh(core_axis_name="c", subcore_axis_name="s"),
        out_type=jax.ShapeDtypeStruct((n, DIM), jnp.float32),
        scratch_types=[
            pltpu.VMEM((rows_per_w + 16,), jnp.int32),
            pltpu.VMEM((NUM_G, DIM), jnp.float32),
            pltpu.VMEM((2 * STEP_ROWS, DIM), jnp.float32),
            pltpu.SemaphoreType.DMA((2,)),
        ],
        compiler_params=pltpu.CompilerParams(needs_layout_passes=False),
    )
    def lift_kernel(repr_hbm, idx_hbm, out_hbm, idx_v, table_v, buf_v, sem):
        wid = lax.axis_index("s") * nc + lax.axis_index("c")
        row0 = 8 * jnp.minimum(wid * (rows_per_w // 8), (n - rows_per_w) // 8)
        pltpu.sync_copy(idx_hbm.at[pl.ds(row0, rows_per_w)], idx_v.at[pl.ds(0, rows_per_w)])
        pltpu.sync_copy(repr_hbm, table_v)

        def step_body(p, _):
            par = p % 2
            poff = pl.multiple_of(par * STEP_ROWS, STEP_ROWS)
            bslice = buf_v.at[pl.ds(poff, STEP_ROWS)]

            @pl.when(p >= 2)
            def _drain():
                pltpu.make_async_copy(
                    bslice,
                    out_hbm.at[pl.ds(row0 + (p - 2) * STEP_ROWS, STEP_ROWS)],
                    sem.at[par],
                ).wait()

            w0 = p * STEP_ROWS
            wend = w0 + STEP_ROWS
            g0 = idx_v[pl.ds(w0, 16)][0]
            g1 = idx_v[pl.ds(wend - 1, 16)][0]

            def run_body(g, a):
                def bs_cond(st):
                    return st[0] < st[1]

                def bs_body(st):
                    lo, hi = st
                    mid = (lo + hi) // 2
                    le = idx_v[pl.ds(mid, 16)][0] <= g
                    return (jnp.where(le, mid + 1, lo), jnp.where(le, hi, mid))

                b, _ = lax.while_loop(bs_cond, bs_body, (a, wend))
                tv = [table_v[g, pl.ds(16 * c, 16)] for c in range(DIM // 16)]

                def row_body(r, _):
                    rr = poff + (r - w0)
                    for c in range(DIM // 16):
                        buf_v[rr, pl.ds(16 * c, 16)] = tv[c]
                    return 0

                lax.fori_loop(a, b, row_body, 0)
                return b

            lax.fori_loop(g0, g1 + 1, run_body, w0)
            pltpu.async_copy(
                bslice,
                out_hbm.at[pl.ds(row0 + p * STEP_ROWS, STEP_ROWS)],
                sem.at[par],
            )
            return 0

        lax.fori_loop(0, steps, step_body, 0)
        for par in range(2):
            pltpu.make_async_copy(
                buf_v.at[pl.ds(par * STEP_ROWS, STEP_ROWS)],
                out_hbm.at[pl.ds(row0 + (steps - 2 + par) * STEP_ROWS, STEP_ROWS)],
                sem.at[par],
            ).wait()

    return lift_kernel(repr_flat, idx1d)


def kernel(x, node_to_graph_map, W_score, b_score, W_val, b_val):
    n = x.shape[0]
    n_pad = ((n + 3999) // 4000) * 4000
    x_pad = jnp.pad(x, ((0, n_pad - n), (0, 0)))
    map_oh = jnp.pad(node_to_graph_map, (0, n_pad - n), constant_values=NUM_G)
    map3 = map_oh.reshape(n_pad // BLOCK, 1, BLOCK)
    rexp = (
        lax.broadcasted_iota(jnp.int32, (HEADS, DIM), 1) // HEAD_DIM
        == lax.broadcasted_iota(jnp.int32, (HEADS, DIM), 0)
    ).astype(jnp.float32)
    repr_ = _pool(
        x_pad, map3, W_score, b_score.reshape(1, HEADS), W_val, b_val.reshape(1, DIM), rexp
    )
    return _lift(repr_, node_to_graph_map, n)

# --- scband reference (transcript-rebuilt; emitter-appended) ---
"""Pipeline reference for scband-graph-global-exchange-14448269984577 (READ-ONLY COPY).

The authoritative reference and input builder live on the scoring server;
editing this copy changes nothing except your own understanding.
"""

import jax, jax.numpy as jnp
import numpy as np

NUM_NODES = 100000
NUM_GRAPHS = 256
NODE_DIM = 128
GRAPH_DIM = 128
NUM_HEADS = 4


def setup_inputs(seed: int = 0) -> dict:
    key = jax.random.key(seed)
    k1, k2, k3, k4, k5, k6 = jax.random.split(key, 6)
    x = jax.random.normal(k1, (NUM_NODES, NODE_DIM), dtype=jnp.float32)
    node_to_graph_map = jnp.sort(
        jax.random.randint(k2, (NUM_NODES,), 0, NUM_GRAPHS)
    ).astype(jnp.int32)
    # Learned params: per-head scoring layer + value transformation layer
    W_score = jax.random.normal(k3, (NODE_DIM, NUM_HEADS), dtype=jnp.float32) / np.sqrt(NODE_DIM)
    b_score = jnp.zeros((NUM_HEADS,), dtype=jnp.float32)
    W_val = jax.random.normal(k4, (NODE_DIM, GRAPH_DIM), dtype=jnp.float32) / np.sqrt(NODE_DIM)
    b_val = jnp.zeros((GRAPH_DIM,), dtype=jnp.float32)
    return {
        "x": x,
        "node_to_graph_map": node_to_graph_map,
        "W_score": W_score,
        "b_score": b_score,
        "W_val": W_val,
        "b_val": b_val,
    }


def reference(x, node_to_graph_map, W_score, b_score, W_val, b_val):
    # WeightedSumGraphRepresentation with softmax weighting, then lift
    # graph representation back to each node (dropout in eval mode = identity).
    N = x.shape[0]
    scores = x @ W_score + b_score  # [N, H]
    # segment softmax over nodes of each graph, per head
    smax = jax.ops.segment_max(scores, node_to_graph_map, num_segments=NUM_GRAPHS)
    smax = jax.lax.stop_gradient(smax)
    exps = jnp.exp(scores - smax[node_to_graph_map])
    denom = jax.ops.segment_sum(exps, node_to_graph_map, num_segments=NUM_GRAPHS)
    weights = exps / (denom[node_to_graph_map] + 1e-9)  # [N, H]
    values = x @ W_val + b_val  # [N, GRAPH_DIM]
    values_h = values.reshape(N, NUM_HEADS, GRAPH_DIM // NUM_HEADS)
    weighted = (weights[:, :, None] * values_h).reshape(N, GRAPH_DIM)
    graph_repr = jax.ops.segment_sum(weighted, node_to_graph_map, num_segments=NUM_GRAPHS)  # [G, D]
    # index_select(node_dim=0, node_to_graph_map): lift per-graph repr to nodes
    lifted = jnp.take(graph_repr, node_to_graph_map, axis=0)  # [N, D]
    return lifted

if __name__ == "__main__":
    import jax
    _d = setup_inputs()
    print(jax.jit(kernel)(*tuple(_d.values())))

</pallas_src>

<mosaic_0001>
#map = affine_map<(d0, d1) -> (0, 0)>
#map1 = affine_map<(d0, d1) -> (0)>
module attributes {stable_mosaic.version = 14 : i64} {
  func.func @lift_kernel(%arg0: i32, %arg1: i32, %arg2: memref<256x128xf32, #tpu.memory_space<hbm>>, %arg3: memref<100000xi32, #tpu.memory_space<hbm>>, %arg4: memref<100000x128xf32, #tpu.memory_space<hbm>>, %arg5: memref<3152xi32, #tpu.memory_space<vmem>>, %arg6: memref<256x128xf32, #tpu.memory_space<vmem>>, %arg7: memref<448x128xf32, #tpu.memory_space<vmem>>, %arg8: memref<2x!tpu.dma_semaphore, #tpu.memory_space<semaphore_mem>>) attributes {dimension_semantics = [#tpu.dimension_semantics<core_parallel>, #tpu.dimension_semantics<subcore_parallel>], iteration_bounds = array<i64: 2, 16>, scalar_prefetch = 0 : i64, scratch_operands = 4 : i64, tpu.core_type = #tpu.core_type<sc_vector_subcore>, window_params = [{transform_indices = #map}, {transform_indices = #map1}, {transform_indices = #map}]} {
    %mul3A = arith.constant 2 : i32
    %mul3A_0 = arith.muli %arg1, %mul3A : i32
    %add3A = arith.addi %mul3A_0, %arg0 : i32
    %mul3A_1 = arith.constant 392 : i32
    %mul3A_2 = arith.muli %add3A, %mul3A_1 : i32
    %min3A = arith.constant 12108 : i32
    %min3A_3 = arith.minsi %mul3A_2, %min3A : i32
    %mul3A_4 = arith.constant 8 : i32
    %mul3A_5 = arith.muli %mul3A_4, %min3A_3 : i32
    "tpu.region"() ({
      %run_scoped3A = tpu.sem_alloc : memref<!tpu.dma_semaphore, #tpu.memory_space<semaphore_mem>>
      %dma_start3A = arith.constant 0 : i32
      %dma_start3A_41 = tpu.memref_slice %arg5[%dma_start3A] : memref<3152xi32, #tpu.memory_space<vmem>> -> memref<3136xi32, #tpu.memory_space<vmem>>
      %dma_start3A_42 = tpu.memref_slice %arg3[%mul3A_5] : memref<100000xi32, #tpu.memory_space<hbm>> -> memref<3136xi32, #tpu.memory_space<hbm>>
      %dma_start3A_43 = arith.constant 0 : i32
      %dma_start3A_44 = tpu.memref_slice %arg5[%dma_start3A_43] : memref<3152xi32, #tpu.memory_space<vmem>> -> memref<3136xi32, #tpu.memory_space<vmem>>
      %dma_start3A_45 = tpu.memref_slice %arg3[%mul3A_5] : memref<100000xi32, #tpu.memory_space<hbm>> -> memref<3136xi32, #tpu.memory_space<hbm>>
      tpu.enqueue_dma source(%dma_start3A_45 : memref<3136xi32, #tpu.memory_space<hbm>>) target(%dma_start3A_44 : memref<3136xi32, #tpu.memory_space<vmem>>) target_semaphore(%run_scoped3A : memref<!tpu.dma_semaphore, #tpu.memory_space<semaphore_mem>>)
      %dma_wait3A_46 = arith.constant 0 : i32
      %dma_wait3A_47 = tpu.memref_slice %arg5[%dma_wait3A_46] : memref<3152xi32, #tpu.memory_space<vmem>> -> memref<3136xi32, #tpu.memory_space<vmem>>
      %dma_wait3A_48 = tpu.memref_slice %arg3[%mul3A_5] : memref<100000xi32, #tpu.memory_space<hbm>> -> memref<3136xi32, #tpu.memory_space<hbm>>
      %dma_wait3A_49 = arith.constant 0 : i32
      %dma_wait3A_50 = tpu.memref_slice %arg5[%dma_wait3A_49] : memref<3152xi32, #tpu.memory_space<vmem>> -> memref<3136xi32, #tpu.memory_space<vmem>>
      %dma_wait3A_51 = tpu.memref_slice %arg3[%mul3A_5] : memref<100000xi32, #tpu.memory_space<hbm>> -> memref<3136xi32, #tpu.memory_space<hbm>>
      tpu.wait_dma2 semaphore(%run_scoped3A : memref<!tpu.dma_semaphore, #tpu.memory_space<semaphore_mem>>) src(%dma_wait3A_51 : memref<3136xi32, #tpu.memory_space<hbm>>) dst(%dma_wait3A_50 : memref<3136xi32, #tpu.memory_space<vmem>>)
      tpu.yield
    }) : () -> ()
    "tpu.region"() ({
      %run_scoped3A = tpu.sem_alloc : memref<!tpu.dma_semaphore, #tpu.memory_space<semaphore_mem>>
      tpu.enqueue_dma source(%arg2 : memref<256x128xf32, #tpu.memory_space<hbm>>) target(%arg6 : memref<256x128xf32, #tpu.memory_space<vmem>>) target_semaphore(%run_scoped3A : memref<!tpu.dma_semaphore, #tpu.memory_space<semaphore_mem>>)
      tpu.wait_dma2 semaphore(%run_scoped3A : memref<!tpu.dma_semaphore, #tpu.memory_space<semaphore_mem>>) src(%arg2 : memref<256x128xf32, #tpu.memory_space<hbm>>) dst(%arg6 : memref<256x128xf32, #tpu.memory_space<vmem>>)
      tpu.yield
    }) : () -> ()
    %scan3A = arith.constant 0 : i32
    %scan3A_6 = arith.constant 0 : i32
    %scan3A_7 = arith.constant 14 : i32
    %scan3A_8 = arith.addi %scan3A_6, %scan3A_7 : i32
    %scan3A_9 = arith.constant 1 : i32
    %scan3A_10 = scf.for %scan3A_41 = %scan3A_6 to %scan3A_8 step %scan3A_9 iter_args(%scan3A_42 = %scan3A) -> (i32)  : i32 {
      %jit3A = arith.constant 2 : i32
      %eq3A = arith.constant 0 : i32
      %eq3A_43 = arith.cmpi eq, %jit3A, %eq3A : i32
      %jit3A_44 = arith.constant 1 : i32
      %select_n3A = arith.select %eq3A_43, %jit3A_44, %jit3A : i32
      %rem3A = arith.remsi %scan3A_41, %select_n3A : i32
      %ne3A = arith.constant 0 : i32
      %ne3A_45 = arith.cmpi ne, %rem3A, %ne3A : i32
      %lt3A = arith.constant 0 : i32
      %lt3A_46 = arith.cmpi slt, %rem3A, %lt3A : i32
      %lt3A_47 = arith.constant 0 : i32
      %lt3A_48 = arith.cmpi slt, %select_n3A, %lt3A_47 : i32
      %ne3A_49 = arith.xori %lt3A_46, %lt3A_48 : i1
      %and3A = arith.andi %ne3A_49, %ne3A_45 : i1
      %add3A_50 = arith.addi %rem3A, %select_n3A : i32
      %select_n3A_51 = arith.select %and3A, %add3A_50, %rem3A : i32
      %mul3A_52 = arith.constant 224 : i32
      %mul3A_53 = arith.muli %select_n3A_51, %mul3A_52 : i32
      %multiple_of3A = tpu.assume_multiple %mul3A_53, 224 : i32
      %ge3A = arith.constant 2 : i32
      %ge3A_54 = arith.cmpi sge, %scan3A_41, %ge3A : i32
      %convert_element_type3A = arith.extui %ge3A_54 : i1 to i32
      %cond3A = arith.constant 0 : i32
      %cond3A_55 = arith.cmpi ne, %convert_element_type3A, %cond3A : i32
      scf.if %cond3A_55 {
        %sub3A_90 = arith.constant 2 : i32
        %sub3A_91 = arith.subi %scan3A_41, %sub3A_90 : i32
        %mul3A_92 = arith.constant 224 : i32
        %mul3A_93 = arith.muli %sub3A_91, %mul3A_92 : i32
        %add3A_94 = arith.addi %mul3A_5, %mul3A_93 : i32
        %dma_wait3A_95 = arith.constant 0 : i32
        %dma_wait3A_96 = tpu.memref_slice %arg7[%multiple_of3A, %dma_wait3A_95] : memref<448x128xf32, #tpu.memory_space<vmem>> -> memref<224x128xf32, #tpu.memory_space<vmem>>
        %dma_wait3A_97 = arith.constant 0 : i32
        %dma_wait3A_98 = tpu.memref_slice %arg4[%add3A_94, %dma_wait3A_97] : memref<100000x128xf32, #tpu.memory_space<hbm>> -> memref<224x128xf32, #tpu.memory_space<hbm>>
        %dma_wait3A_99 = tpu.memref_slice %arg8[%select_n3A_51] : memref<2x!tpu.dma_semaphore, #tpu.memory_space<semaphore_mem>> -> memref<1x!tpu.dma_semaphore, #tpu.memory_space<semaphore_mem>>
        %dma_wait3A_100 = tpu.memref_squeeze %dma_wait3A_99 : memref<1x!tpu.dma_semaphore, #tpu.memory_space<semaphore_mem>> -> memref<!tpu.dma_semaphore, #tpu.memory_space<semaphore_mem>>
        %dma_wait3A_101 = arith.constant 0 : i32
        %dma_wait3A_102 = tpu.memref_slice %arg4[%add3A_94, %dma_wait3A_101] : memref<100000x128xf32, #tpu.memory_space<hbm>> -> memref<224x128xf32, #tpu.memory_space<hbm>>
        %dma_wait3A_103 = arith.constant 0 : i32
        %dma_wait3A_104 = tpu.memref_slice %arg7[%multiple_of3A, %dma_wait3A_103] : memref<448x128xf32, #tpu.memory_space<vmem>> -> memref<224x128xf32, #tpu.memory_space<vmem>>
        tpu.wait_dma2 semaphore(%dma_wait3A_100 : memref<!tpu.dma_semaphore, #tpu.memory_space<semaphore_mem>>) src(%dma_wait3A_104 : memref<224x128xf32, #tpu.memory_space<vmem>>) dst(%dma_wait3A_102 : memref<224x128xf32, #tpu.memory_space<hbm>>)
      } else {
      }
      %mul3A_56 = arith.constant 224 : i32
      %mul3A_57 = arith.muli %scan3A_41, %mul3A_56 : i32
      %add3A_58 = arith.constant 224 : i32
      %add3A_59 = arith.addi %mul3A_57, %add3A_58 : i32
      %get3A = arith.index_cast %mul3A_57 : i32 to index
      %get3A_60 = tpu.vector_load %arg5[%get3A] {strides = array<i32>} : memref<3152xi32, #tpu.memory_space<vmem>>, vector<16xi32>,
      %slice3A = vector.extract_strided_slice %get3A_60 {offsets = [0], sizes = [1], strides = [1]} : vector<16xi32> to vector<1xi32>
      %squeeze3A = vector.extract %slice3A[0] : i32 from vector<1xi32>
      %sub3A = arith.constant 1 : i32
      %sub3A_61 = arith.subi %add3A_59, %sub3A : i32
      %get3A_62 = arith.index_cast %sub3A_61 : i32 to index
      %get3A_63 = tpu.vector_load %arg5[%get3A_62] {strides = array<i32>} : memref<3152xi32, #tpu.memory_space<vmem>>, vector<16xi32>,
      %slice3A_64 = vector.extract_strided_slice %get3A_63 {offsets = [0], sizes = [1], strides = [1]} : vector<16xi32> to vector<1xi32>
      %squeeze3A_65 = vector.extract %slice3A_64[0] : i32 from vector<1xi32>
      %add3A_66 = arith.constant 1 : i32
      %add3A_67 = arith.addi %squeeze3A_65, %add3A_66 : i32
      %while3A = arith.subi %add3A_67, %squeeze3A : i32
      %while3A_68 = arith.addi %squeeze3A, %while3A : i32
      %while3A_69 = arith.constant 1 : i32
      %while3A_70 = arith.divsi %while3A, %while3A_69 : i32
      %while3A_71 = arith.muli %while3A_70, %while3A_69 : i32
      %while3A_72 = arith.addi %squeeze3A, %while3A_71 : i32
      %while3A_73 = arith.constant 1 : i32
      %while3A_74 = scf.for %while3A_90 = %squeeze3A to %while3A_72 step %while3A_73 iter_args(%while3A_91 = %mul3A_57) -> (i32)  : i32 {
        %while3A_92:2 = scf.while (%while3A_128 = %while3A_91, %while3A_129 = %add3A_59) : (i32, i32) -> (i32, i32) {
          %lt3A_130 = arith.cmpi slt, %while3A_128, %while3A_129 : i32
          scf.condition(%lt3A_130) %while3A_128, %while3A_129 : i32, i32
        } do {
        ^bb0(%while3A_128: i32, %while3A_129: i32):
          %add3A_130 = arith.addi %while3A_128, %while3A_129 : i32
          %jit3A_131 = arith.constant 2 : i32
          %div3A = arith.divsi %add3A_130, %jit3A_131 : i32
          %sign3A = arith.constant 0 : i32
          %sign3A_132 = arith.cmpi sgt, %add3A_130, %sign3A : i32
          %sign3A_133 = arith.extui %sign3A_132 : i1 to i32
          %sign3A_134 = arith.constant 0 : i32
          %sign3A_135 = arith.cmpi slt, %add3A_130, %sign3A_134 : i32
          %sign3A_136 = arith.extui %sign3A_135 : i1 to i32
          %sign3A_137 = arith.subi %sign3A_133, %sign3A_136 : i32
          %sign3A_138 = arith.constant 0 : i32
          %sign3A_139 = arith.cmpi sgt, %jit3A_131, %sign3A_138 : i32
          %sign3A_140 = arith.extui %sign3A_139 : i1 to i32
          %sign3A_141 = arith.constant 0 : i32
          %sign3A_142 = arith.cmpi slt, %jit3A_131, %sign3A_141 : i32
          %sign3A_143 = arith.extui %sign3A_142 : i1 to i32
          %sign3A_144 = arith.subi %sign3A_140, %sign3A_143 : i32
          %ne3A_145 = arith.cmpi ne, %sign3A_137, %sign3A_144 : i32
          %rem3A_146 = arith.remsi %add3A_130, %jit3A_131 : i32
          %ne3A_147 = arith.constant 0 : i32
          %ne3A_148 = arith.cmpi ne, %rem3A_146, %ne3A_147 : i32
          %and3A_149 = arith.andi %ne3A_145, %ne3A_148 : i1
          %sub3A_150 = arith.constant 1 : i32
          %sub3A_151 = arith.subi %div3A, %sub3A_150 : i32
          %select_n3A_152 = arith.select %and3A_149, %sub3A_151, %div3A : i32
          %get3A_153 = arith.index_cast %select_n3A_152 : i32 to index
          %get3A_154 = tpu.vector_load %arg5[%get3A_153] {strides = array<i32>} : memref<3152xi32, #tpu.memory_space<vmem>>, vector<16xi32>,
          %slice3A_155 = vector.extract_strided_slice %get3A_154 {offsets = [0], sizes = [1], strides = [1]} : vector<16xi32> to vector<1xi32>
          %squeeze3A_156 = vector.extract %slice3A_155[0] : i32 from vector<1xi32>
          %le3A = arith.cmpi sle, %squeeze3A_156, %while3A_90 : i32
          %add3A_157 = arith.constant 1 : i32
          %add3A_158 = arith.addi %select_n3A_152, %add3A_157 : i32
          %select_n3A_159 = arith.select %le3A, %add3A_158, %while3A_128 : i32
          %select_n3A_160 = arith.select %le3A, %while3A_129, %select_n3A_152 : i32
          scf.yield %select_n3A_159, %select_n3A_160 : i32, i32
        }
        %get3A_93 = arith.index_cast %while3A_90 : i32 to index
        %get3A_94 = arith.constant 0 : index
        %get3A_95 = tpu.vector_load %arg6[%get3A_93, %get3A_94] {strides = array<i32>} : memref<256x128xf32, #tpu.memory_space<vmem>>, vector<16xf32>,
        %get3A_96 = arith.index_cast %while3A_90 : i32 to index
        %get3A_97 = arith.constant 16 : index
        %get3A_98 = tpu.vector_load %arg6[%get3A_96, %get3A_97] {strides = array<i32>} : memref<256x128xf32, #tpu.memory_space<vmem>>, vector<16xf32>,
        %get3A_99 = arith.index_cast %while3A_90 : i32 to index
        %get3A_100 = arith.constant 32 : index
        %get3A_101 = tpu.vector_load %arg6[%get3A_99, %get3A_100] {strides = array<i32>} : memref<256x128xf32, #tpu.memory_space<vmem>>, vector<16xf32>,
        %get3A_102 = arith.index_cast %while3A_90 : i32 to index
        %get3A_103 = arith.constant 48 : index
        %get3A_104 = tpu.vector_load %arg6[%get3A_102, %get3A_103] {strides = array<i32>} : memref<256x128xf32, #tpu.memory_space<vmem>>, vector<16xf32>,
        %get3A_105 = arith.index_cast %while3A_90 : i32 to index
        %get3A_106 = arith.constant 64 : index
        %get3A_107 = tpu.vector_load %arg6[%get3A_105, %get3A_106] {strides = array<i32>} : memref<256x128xf32, #tpu.memory_space<vmem>>, vector<16xf32>,
        %get3A_108 = arith.index_cast %while3A_90 : i32 to index
        %get3A_109 = arith.constant 80 : index
        %get3A_110 = tpu.vector_load %arg6[%get3A_108, %get3A_109] {strides = array<i32>} : memref<256x128xf32, #tpu.memory_space<vmem>>, vector<16xf32>,
        %get3A_111 = arith.index_cast %while3A_90 : i32 to index
        %get3A_112 = arith.constant 96 : index
        %get3A_113 = tpu.vector_load %arg6[%get3A_111, %get3A_112] {strides = array<i32>} : memref<256x128xf32, #tpu.memory_space<vmem>>, vector<16xf32>,
        %get3A_114 = arith.index_cast %while3A_90 : i32 to index
        %get3A_115 = arith.constant 112 : index
        %get3A_116 = tpu.vector_load %arg6[%get3A_114, %get3A_115] {strides = array<i32>} : memref<256x128xf32, #tpu.memory_space<vmem>>, vector<16xf32>,
        %while3A_117 = arith.constant 0 : i32
        %while3A_118 = arith.subi %while3A_92#0, %while3A_91 : i32
        %while3A_119 = arith.addi %while3A_91, %while3A_118 : i32
        %while3A_120 = arith.constant 1 : i32
        %while3A_121 = arith.divsi %while3A_118, %while3A_120 : i32
        %while3A_122 = arith.muli %while3A_121, %while3A_120 : i32
        %while3A_123 = arith.addi %while3A_91, %while3A_122 : i32
        %while3A_124 = arith.constant 1 : i32
        %while3A_125 = scf.for %while3A_128 = %while3A_91 to %while3A_123 step %while3A_124 iter_args(%while3A_129 = %while3A_117) -> (i32)  : i32 {
          %sub3A_130 = arith.subi %while3A_128, %mul3A_57 : i32
          %add3A_131 = arith.addi %multiple_of3A, %sub3A_130 : i32
          %swap3A = arith.index_cast %add3A_131 : i32 to index
          %swap3A_132 = arith.constant 0 : index
          %swap3A_133 = tpu.vector_load %arg7[%swap3A, %swap3A_132] {strides = array<i32>} : memref<448x128xf32, #tpu.memory_space<vmem>>, vector<16xf32>,
          tpu.vector_store %arg7[%swap3A, %swap3A_132], %get3A_95 {strides = array<i32>} : memref<448x128xf32, #tpu.memory_space<vmem>>, vector<16xf32>,
          %swap3A_134 = arith.index_cast %add3A_131 : i32 to index
          %swap3A_135 = arith.constant 16 : index
          %swap3A_136 = tpu.vector_load %arg7[%swap3A_134, %swap3A_135] {strides = array<i32>} : memref<448x128xf32, #tpu.memory_space<vmem>>, vector<16xf32>,
          tpu.vector_store %arg7[%swap3A_134, %swap3A_135], %get3A_98 {strides = array<i32>} : memref<448x128xf32, #tpu.memory_space<vmem>>, vector<16xf32>,
          %swap3A_137 = arith.index_cast %add3A_131 : i32 to index
          %swap3A_138 = arith.constant 32 : index
          %swap3A_139 = tpu.vector_load %arg7[%swap3A_137, %swap3A_138] {strides = array<i32>} : memref<448x128xf32, #tpu.memory_space<vmem>>, vector<16xf32>,
          tpu.vector_store %arg7[%swap3A_137, %swap3A_138], %get3A_101 {strides = array<i32>} : memref<448x128xf32, #tpu.memory_space<vmem>>, vector<16xf32>,
          %swap3A_140 = arith.index_cast %add3A_131 : i32 to index
          %swap3A_141 = arith.constant 48 : index
          %swap3A_142 = tpu.vector_load %arg7[%swap3A_140, %swap3A_141] {strides = array<i32>} : memref<448x128xf32, #tpu.memory_space<vmem>>, vector<16xf32>,
          tpu.vector_store %arg7[%swap3A_140, %swap3A_141], %get3A_104 {strides = array<i32>} : memref<448x128xf32, #tpu.memory_space<vmem>>, vector<16xf32>,
          %swap3A_143 = arith.index_cast %add3A_131 : i32 to index
          %swap3A_144 = arith.constant 64 : index
          %swap3A_145 = tpu.vector_load %arg7[%swap3A_143, %swap3A_144] {strides = array<i32>} : memref<448x128xf32, #tpu.memory_space<vmem>>, vector<16xf32>,
          tpu.vector_store %arg7[%swap3A_143, %swap3A_144], %get3A_107 {strides = array<i32>} : memref<448x128xf32, #tpu.memory_space<vmem>>, vector<16xf32>,
          %swap3A_146 = arith.index_cast %add3A_131 : i32 to index
          %swap3A_147 = arith.constant 80 : index
          %swap3A_148 = tpu.vector_load %arg7[%swap3A_146, %swap3A_147] {strides = array<i32>} : memref<448x128xf32, #tpu.memory_space<vmem>>, vector<16xf32>,
          tpu.vector_store %arg7[%swap3A_146, %swap3A_147], %get3A_110 {strides = array<i32>} : memref<448x128xf32, #tpu.memory_space<vmem>>, vector<16xf32>,
          %swap3A_149 = arith.index_cast %add3A_131 : i32 to index
          %swap3A_150 = arith.constant 96 : index
          %swap3A_151 = tpu.vector_load %arg7[%swap3A_149, %swap3A_150] {strides = array<i32>} : memref<448x128xf32, #tpu.memory_space<vmem>>, vector<16xf32>,
          tpu.vector_store %arg7[%swap3A_149, %swap3A_150], %get3A_113 {strides = array<i32>} : memref<448x128xf32, #tpu.memory_space<vmem>>, vector<16xf32>,
          %swap3A_152 = arith.index_cast %add3A_131 : i32 to index
          %swap3A_153 = arith.constant 112 : index
          %swap3A_154 = tpu.vector_load %arg7[%swap3A_152, %swap3A_153] {strides = array<i32>} : memref<448x128xf32, #tpu.memory_space<vmem>>, vector<16xf32>,
          tpu.vector_store %arg7[%swap3A_152, %swap3A_153], %get3A_116 {strides = array<i32>} : memref<448x128xf32, #tpu.memory_space<vmem>>, vector<16xf32>,
          %while3A_155 = arith.constant 0 : i32
          scf.yield %while3A_155 : i32
        }
        %while3A_126 = arith.constant 1 : i32
        %while3A_127 = scf.for %while3A_128 = %while3A_123 to %while3A_119 step %while3A_126 iter_args(%while3A_129 = %while3A_125) -> (i32)  : i32 {
          %sub3A_130 = arith.subi %while3A_128, %mul3A_57 : i32
          %add3A_131 = arith.addi %multiple_of3A, %sub3A_130 : i32
          %swap3A = arith.index_cast %add3A_131 : i32 to index
          %swap3A_132 = arith.constant 0 : index
          %swap3A_133 = tpu.vector_load %arg7[%swap3A, %swap3A_132] {strides = array<i32>} : memref<448x128xf32, #tpu.memory_space<vmem>>, vector<16xf32>,
          tpu.vector_store %arg7[%swap3A, %swap3A_132], %get3A_95 {strides = array<i32>} : memref<448x128xf32, #tpu.memory_space<vmem>>, vector<16xf32>,
          %swap3A_134 = arith.index_cast %add3A_131 : i32 to index
          %swap3A_135 = arith.constant 16 : index
          %swap3A_136 = tpu.vector_load %arg7[%swap3A_134, %swap3A_135] {strides = array<i32>} : memref<448x128xf32, #tpu.memory_space<vmem>>, vector<16xf32>,
          tpu.vector_store %arg7[%swap3A_134, %swap3A_135], %get3A_98 {strides = array<i32>} : memref<448x128xf32, #tpu.memory_space<vmem>>, vector<16xf32>,
          %swap3A_137 = arith.index_cast %add3A_131 : i32 to index
          %swap3A_138 = arith.constant 32 : index
          %swap3A_139 = tpu.vector_load %arg7[%swap3A_137, %swap3A_138] {strides = array<i32>} : memref<448x128xf32, #tpu.memory_space<vmem>>, vector<16xf32>,
          tpu.vector_store %arg7[%swap3A_137, %swap3A_138], %get3A_101 {strides = array<i32>} : memref<448x128xf32, #tpu.memory_space<vmem>>, vector<16xf32>,
          %swap3A_140 = arith.index_cast %add3A_131 : i32 to index
          %swap3A_141 = arith.constant 48 : index
          %swap3A_142 = tpu.vector_load %arg7[%swap3A_140, %swap3A_141] {strides = array<i32>} : memref<448x128xf32, #tpu.memory_space<vmem>>, vector<16xf32>,
          tpu.vector_store %arg7[%swap3A_140, %swap3A_141], %get3A_104 {strides = array<i32>} : memref<448x128xf32, #tpu.memory_space<vmem>>, vector<16xf32>,
          %swap3A_143 = arith.index_cast %add3A_131 : i32 to index
          %swap3A_144 = arith.constant 64 : index
          %swap3A_145 = tpu.vector_load %arg7[%swap3A_143, %swap3A_144] {strides = array<i32>} : memref<448x128xf32, #tpu.memory_space<vmem>>, vector<16xf32>,
          tpu.vector_store %arg7[%swap3A_143, %swap3A_144], %get3A_107 {strides = array<i32>} : memref<448x128xf32, #tpu.memory_space<vmem>>, vector<16xf32>,
          %swap3A_146 = arith.index_cast %add3A_131 : i32 to index
          %swap3A_147 = arith.constant 80 : index
          %swap3A_148 = tpu.vector_load %arg7[%swap3A_146, %swap3A_147] {strides = array<i32>} : memref<448x128xf32, #tpu.memory_space<vmem>>, vector<16xf32>,
          tpu.vector_store %arg7[%swap3A_146, %swap3A_147], %get3A_110 {strides = array<i32>} : memref<448x128xf32, #tpu.memory_space<vmem>>, vector<16xf32>,
          %swap3A_149 = arith.index_cast %add3A_131 : i32 to index
          %swap3A_150 = arith.constant 96 : index
          %swap3A_151 = tpu.vector_load %arg7[%swap3A_149, %swap3A_150] {strides = array<i32>} : memref<448x128xf32, #tpu.memory_space<vmem>>, vector<16xf32>,
          tpu.vector_store %arg7[%swap3A_149, %swap3A_150], %get3A_113 {strides = array<i32>} : memref<448x128xf32, #tpu.memory_space<vmem>>, vector<16xf32>,
          %swap3A_152 = arith.index_cast %add3A_131 : i32 to index
          %swap3A_153 = arith.constant 112 : index
          %swap3A_154 = tpu.vector_load %arg7[%swap3A_152, %swap3A_153] {strides = array<i32>} : memref<448x128xf32, #tpu.memory_space<vmem>>, vector<16xf32>,
          tpu.vector_store %arg7[%swap3A_152, %swap3A_153], %get3A_116 {strides = array<i32>} : memref<448x128xf32, #tpu.memory_space<vmem>>, vector<16xf32>,
          %while3A_155 = arith.constant 0 : i32
          scf.yield %while3A_155 : i32
        }
        scf.yield %while3A_92#0 : i32
      }
      %while3A_75 = arith.constant 1 : i32
      %while3A_76 = scf.for %while3A_90 = %while3A_72 to %while3A_68 step %while3A_75 iter_args(%while3A_91 = %while3A_74) -> (i32)  : i32 {
        %while3A_92:2 = scf.while (%while3A_128 = %while3A_91, %while3A_129 = %add3A_59) : (i32, i32) -> (i32, i32) {
          %lt3A_130 = arith.cmpi slt, %while3A_128, %while3A_129 : i32
          scf.condition(%lt3A_130) %while3A_128, %while3A_129 : i32, i32
        } do {
        ^bb0(%while3A_128: i32, %while3A_129: i32):
          %add3A_130 = arith.addi %while3A_128, %while3A_129 : i32
          %jit3A_131 = arith.constant 2 : i32
          %div3A = arith.divsi %add3A_130, %jit3A_131 : i32
          %sign3A = arith.constant 0 : i32
          %sign3A_132 = arith.cmpi sgt, %add3A_130, %sign3A : i32
          %sign3A_133 = arith.extui %sign3A_132 : i1 to i32
          %sign3A_134 = arith.constant 0 : i32
          %sign3A_135 = arith.cmpi slt, %add3A_130, %sign3A_134 : i32
          %sign3A_136 = arith.extui %sign3A_135 : i1 to i32
          %sign3A_137 = arith.subi %sign3A_133, %sign3A_136 : i32
          %sign3A_138 = arith.constant 0 : i32
          %sign3A_139 = arith.cmpi sgt, %jit3A_131, %sign3A_138 : i32
          %sign3A_140 = arith.extui %sign3A_139 : i1 to i32
          %sign3A_141 = arith.constant 0 : i32
          %sign3A_142 = arith.cmpi slt, %jit3A_131, %sign3A_141 : i32
          %sign3A_143 = arith.extui %sign3A_142 : i1 to i32
          %sign3A_144 = arith.subi %sign3A_140, %sign3A_143 : i32
          %ne3A_145 = arith.cmpi ne, %sign3A_137, %sign3A_144 : i32
          %rem3A_146 = arith.remsi %add3A_130, %jit3A_131 : i32
          %ne3A_147 = arith.constant 0 : i32
          %ne3A_148 = arith.cmpi ne, %rem3A_146, %ne3A_147 : i32
          %and3A_149 = arith.andi %ne3A_145, %ne3A_148 : i1
          %sub3A_150 = arith.constant 1 : i32
          %sub3A_151 = arith.subi %div3A, %sub3A_150 : i32
          %select_n3A_152 = arith.select %and3A_149, %sub3A_151, %div3A : i32
          %get3A_153 = arith.index_cast %select_n3A_152 : i32 to index
          %get3A_154 = tpu.vector_load %arg5[%get3A_153] {strides = array<i32>} : memref<3152xi32, #tpu.memory_space<vmem>>, vector<16xi32>,
          %slice3A_155 = vector.extract_strided_slice %get3A_154 {offsets = [0], sizes = [1], strides = [1]} : vector<16xi32> to vector<1xi32>
          %squeeze3A_156 = vector.extract %slice3A_155[0] : i32 from vector<1xi32>
          %le3A = arith.cmpi sle, %squeeze3A_156, %while3A_90 : i32
          %add3A_157 = arith.constant 1 : i32
          %add3A_158 = arith.addi %select_n3A_152, %add3A_157 : i32
          %select_n3A_159 = arith.select %le3A, %add3A_158, %while3A_128 : i32
          %select_n3A_160 = arith.select %le3A, %while3A_129, %select_n3A_152 : i32
          scf.yield %select_n3A_159, %select_n3A_160 : i32, i32
        }
        %get3A_93 = arith.index_cast %while3A_90 : i32 to index
        %get3A_94 = arith.constant 0 : index
        %get3A_95 = tpu.vector_load %arg6[%get3A_93, %get3A_94] {strides = array<i32>} : memref<256x128xf32, #tpu.memory_space<vmem>>, vector<16xf32>,
        %get3A_96 = arith.index_cast %while3A_90 : i32 to index
        %get3A_97 = arith.constant 16 : index
        %get3A_98 = tpu.vector_load %arg6[%get3A_96, %get3A_97] {strides = array<i32>} : memref<256x128xf32, #tpu.memory_space<vmem>>, vector<16xf32>,
        %get3A_99 = arith.index_cast %while3A_90 : i32 to index
        %get3A_100 = arith.constant 32 : index
        %get3A_101 = tpu.vector_load %arg6[%get3A_99, %get3A_100] {strides = array<i32>} : memref<256x128xf32, #tpu.memory_space<vmem>>, vector<16xf32>,
        %get3A_102 = arith.index_cast %while3A_90 : i32 to index
        %get3A_103 = arith.constant 48 : index
        %get3A_104 = tpu.vector_load %arg6[%get3A_102, %get3A_103] {strides = array<i32>} : memref<256x128xf32, #tpu.memory_space<vmem>>, vector<16xf32>,
        %get3A_105 = arith.index_cast %while3A_90 : i32 to index
        %get3A_106 = arith.constant 64 : index
        %get3A_107 = tpu.vector_load %arg6[%get3A_105, %get3A_106] {strides = array<i32>} : memref<256x128xf32, #tpu.memory_space<vmem>>, vector<16xf32>,
        %get3A_108 = arith.index_cast %while3A_90 : i32 to index
        %get3A_109 = arith.constant 80 : index
        %get3A_110 = tpu.vector_load %arg6[%get3A_108, %get3A_109] {strides = array<i32>} : memref<256x128xf32, #tpu.memory_space<vmem>>, vector<16xf32>,
        %get3A_111 = arith.index_cast %while3A_90 : i32 to index
        %get3A_112 = arith.constant 96 : index
        %get3A_113 = tpu.vector_load %arg6[%get3A_111, %get3A_112] {strides = array<i32>} : memref<256x128xf32, #tpu.memory_space<vmem>>, vector<16xf32>,
        %get3A_114 = arith.index_cast %while3A_90 : i32 to index
        %get3A_115 = arith.constant 112 : index
        %get3A_116 = tpu.vector_load %arg6[%get3A_114, %get3A_115] {strides = array<i32>} : memref<256x128xf32, #tpu.memory_space<vmem>>, vector<16xf32>,
        %while3A_117 = arith.constant 0 : i32
        %while3A_118 = arith.subi %while3A_92#0, %while3A_91 : i32
        %while3A_119 = arith.addi %while3A_91, %while3A_118 : i32
        %while3A_120 = arith.constant 1 : i32
        %while3A_121 = arith.divsi %while3A_118, %while3A_120 : i32
        %while3A_122 = arith.muli %while3A_121, %while3A_120 : i32
        %while3A_123 = arith.addi %while3A_91, %while3A_122 : i32
        %while3A_124 = arith.constant 1 : i32
        %while3A_125 = scf.for %while3A_128 = %while3A_91 to %while3A_123 step %while3A_124 iter_args(%while3A_129 = %while3A_117) -> (i32)  : i32 {
          %sub3A_130 = arith.subi %while3A_128, %mul3A_57 : i32
          %add3A_131 = arith.addi %multiple_of3A, %sub3A_130 : i32
          %swap3A = arith.index_cast %add3A_131 : i32 to index
          %swap3A_132 = arith.constant 0 : index
          %swap3A_133 = tpu.vector_load %arg7[%swap3A, %swap3A_132] {strides = array<i32>} : memref<448x128xf32, #tpu.memory_space<vmem>>, vector<16xf32>,
          tpu.vector_store %arg7[%swap3A, %swap3A_132], %get3A_95 {strides = array<i32>} : memref<448x128xf32, #tpu.memory_space<vmem>>, vector<16xf32>,
          %swap3A_134 = arith.index_cast %add3A_131 : i32 to index
          %swap3A_135 = arith.constant 16 : index
          %swap3A_136 = tpu.vector_load %arg7[%swap3A_134, %swap3A_135] {strides = array<i32>} : memref<448x128xf32, #tpu.memory_space<vmem>>, vector<16xf32>,
          tpu.vector_store %arg7[%swap3A_134, %swap3A_135], %get3A_98 {strides = array<i32>} : memref<448x128xf32, #tpu.memory_space<vmem>>, vector<16xf32>,
          %swap3A_137 = arith.index_cast %add3A_131 : i32 to index
          %swap3A_138 = arith.constant 32 : index
          %swap3A_139 = tpu.vector_load %arg7[%swap3A_137, %swap3A_138] {strides = array<i32>} : memref<448x128xf32, #tpu.memory_space<vmem>>, vector<16xf32>,
          tpu.vector_store %arg7[%swap3A_137, %swap3A_138], %get3A_101 {strides = array<i32>} : memref<448x128xf32, #tpu.memory_space<vmem>>, vector<16xf32>,
          %swap3A_140 = arith.index_cast %add3A_131 : i32 to index
          %swap3A_141 = arith.constant 48 : index
          %swap3A_142 = tpu.vector_load %arg7[%swap3A_140, %swap3A_141] {strides = array<i32>} : memref<448x128xf32, #tpu.memory_space<vmem>>, vector<16xf32>,
          tpu.vector_store %arg7[%swap3A_140, %swap3A_141], %get3A_104 {strides = array<i32>} : memref<448x128xf32, #tpu.memory_space<vmem>>, vector<16xf32>,
          %swap3A_143 = arith.index_cast %add3A_131 : i32 to index
          %swap3A_144 = arith.constant 64 : index
          %swap3A_145 = tpu.vector_load %arg7[%swap3A_143, %swap3A_144] {strides = array<i32>} : memref<448x128xf32, #tpu.memory_space<vmem>>, vector<16xf32>,
          tpu.vector_store %arg7[%swap3A_143, %swap3A_144], %get3A_107 {strides = array<i32>} : memref<448x128xf32, #tpu.memory_space<vmem>>, vector<16xf32>,
          %swap3A_146 = arith.index_cast %add3A_131 : i32 to index
          %swap3A_147 = arith.constant 80 : index
          %swap3A_148 = tpu.vector_load %arg7[%swap3A_146, %swap3A_147] {strides = array<i32>} : memref<448x128xf32, #tpu.memory_space<vmem>>, vector<16xf32>,
          tpu.vector_store %arg7[%swap3A_146, %swap3A_147], %get3A_110 {strides = array<i32>} : memref<448x128xf32, #tpu.memory_space<vmem>>, vector<16xf32>,
          %swap3A_149 = arith.index_cast %add3A_131 : i32 to index
          %swap3A_150 = arith.constant 96 : index
          %swap3A_151 = tpu.vector_load %arg7[%swap3A_149, %swap3A_150] {strides = array<i32>} : memref<448x128xf32, #tpu.memory_space<vmem>>, vector<16xf32>,
          tpu.vector_store %arg7[%swap3A_149, %swap3A_150], %get3A_113 {strides = array<i32>} : memref<448x128xf32, #tpu.memory_space<vmem>>, vector<16xf32>,
          %swap3A_152 = arith.index_cast %add3A_131 : i32 to index
          %swap3A_153 = arith.constant 112 : index
          %swap3A_154 = tpu.vector_load %arg7[%swap3A_152, %swap3A_153] {strides = array<i32>} : memref<448x128xf32, #tpu.memory_space<vmem>>, vector<16xf32>,
          tpu.vector_store %arg7[%swap3A_152, %swap3A_153], %get3A_116 {strides = array<i32>} : memref<448x128xf32, #tpu.memory_space<vmem>>, vector<16xf32>,
          %while3A_155 = arith.constant 0 : i32
          scf.yield %while3A_155 : i32
        }
        %while3A_126 = arith.constant 1 : i32
        %while3A_127 = scf.for %while3A_128 = %while3A_123 to %while3A_119 step %while3A_126 iter_args(%while3A_129 = %while3A_125) -> (i32)  : i32 {
          %sub3A_130 = arith.subi %while3A_128, %mul3A_57 : i32
          %add3A_131 = arith.addi %multiple_of3A, %sub3A_130 : i32
          %swap3A = arith.index_cast %add3A_131 : i32 to index
          %swap3A_132 = arith.constant 0 : index
          %swap3A_133 = tpu.vector_load %arg7[%swap3A, %swap3A_132] {strides = array<i32>} : memref<448x128xf32, #tpu.memory_space<vmem>>, vector<16xf32>,
          tpu.vector_store %arg7[%swap3A, %swap3A_132], %get3A_95 {strides = array<i32>} : memref<448x128xf32, #tpu.memory_space<vmem>>, vector<16xf32>,
          %swap3A_134 = arith.index_cast %add3A_131 : i32 to index
          %swap3A_135 = arith.constant 16 : index
          %swap3A_136 = tpu.vector_load %arg7[%swap3A_134, %swap3A_135] {strides = array<i32>} : memref<448x128xf32, #tpu.memory_space<vmem>>, vector<16xf32>,
          tpu.vector_store %arg7[%swap3A_134, %swap3A_135], %get3A_98 {strides = array<i32>} : memref<448x128xf32, #tpu.memory_space<vmem>>, vector<16xf32>,
          %swap3A_137 = arith.index_cast %add3A_131 : i32 to index
          %swap3A_138 = arith.constant 32 : index
          %swap3A_139 = tpu.vector_load %arg7[%swap3A_137, %swap3A_138] {strides = array<i32>} : memref<448x128xf32, #tpu.memory_space<vmem>>, vector<16xf32>,
          tpu.vector_store %arg7[%swap3A_137, %swap3A_138], %get3A_101 {strides = array<i32>} : memref<448x128xf32, #tpu.memory_space<vmem>>, vector<16xf32>,
          %swap3A_140 = arith.index_cast %add3A_131 : i32 to index
          %swap3A_141 = arith.constant 48 : index
          %swap3A_142 = tpu.vector_load %arg7[%swap3A_140, %swap3A_141] {strides = array<i32>} : memref<448x128xf32, #tpu.memory_space<vmem>>, vector<16xf32>,
          tpu.vector_store %arg7[%swap3A_140, %swap3A_141], %get3A_104 {strides = array<i32>} : memref<448x128xf32, #tpu.memory_space<vmem>>, vector<16xf32>,
          %swap3A_143 = arith.index_cast %add3A_131 : i32 to index
          %swap3A_144 = arith.constant 64 : index
          %swap3A_145 = tpu.vector_load %arg7[%swap3A_143, %swap3A_144] {strides = array<i32>} : memref<448x128xf32, #tpu.memory_space<vmem>>, vector<16xf32>,
          tpu.vector_store %arg7[%swap3A_143, %swap3A_144], %get3A_107 {strides = array<i32>} : memref<448x128xf32, #tpu.memory_space<vmem>>, vector<16xf32>,
          %swap3A_146 = arith.index_cast %add3A_131 : i32 to index
          %swap3A_147 = arith.constant 80 : index
          %swap3A_148 = tpu.vector_load %arg7[%swap3A_146, %swap3A_147] {strides = array<i32>} : memref<448x128xf32, #tpu.memory_space<vmem>>, vector<16xf32>,
          tpu.vector_store %arg7[%swap3A_146, %swap3A_147], %get3A_110 {strides = array<i32>} : memref<448x128xf32, #tpu.memory_space<vmem>>, vector<16xf32>,
          %swap3A_149 = arith.index_cast %add3A_131 : i32 to index
          %swap3A_150 = arith.constant 96 : index
          %swap3A_151 = tpu.vector_load %arg7[%swap3A_149, %swap3A_150] {strides = array<i32>} : memref<448x128xf32, #tpu.memory_space<vmem>>, vector<16xf32>,
          tpu.vector_store %arg7[%swap3A_149, %swap3A_150], %get3A_113 {strides = array<i32>} : memref<448x128xf32, #tpu.memory_space<vmem>>, vector<16xf32>,
          %swap3A_152 = arith.index_cast %add3A_131 : i32 to index
          %swap3A_153 = arith.constant 112 : index
          %swap3A_154 = tpu.vector_load %arg7[%swap3A_152, %swap3A_153] {strides = array<i32>} : memref<448x128xf32, #tpu.memory_space<vmem>>, vector<16xf32>,
          tpu.vector_store %arg7[%swap3A_152, %swap3A_153], %get3A_116 {strides = array<i32>} : memref<448x128xf32, #tpu.memory_space<vmem>>, vector<16xf32>,
          %while3A_155 = arith.constant 0 : i32
          scf.yield %while3A_155 : i32
        }
        scf.yield %while3A_92#0 : i32
      }
      %mul3A_77 = arith.constant 224 : i32
      %mul3A_78 = arith.muli %scan3A_41, %mul3A_77 : i32
      %add3A_79 = arith.addi %mul3A_5, %mul3A_78 : i32
      %dma_start3A = arith.constant 0 : i32
      %dma_start3A_80 = tpu.memref_slice %arg7[%multiple_of3A, %dma_start3A] : memref<448x128xf32, #tpu.memory_space<vmem>> -> memref<224x128xf32, #tpu.memory_space<vmem>>
      %dma_start3A_81 = arith.constant 0 : i32
      %dma_start3A_82 = tpu.memref_slice %arg4[%add3A_79, %dma_start3A_81] : memref<100000x128xf32, #tpu.memory_space<hbm>> -> memref<224x128xf32, #tpu.memory_space<hbm>>
      %dma_start3A_83 = tpu.memref_slice %arg8[%select_n3A_51] : memref<2x!tpu.dma_semaphore, #tpu.memory_space<semaphore_mem>> -> memref<1x!tpu.dma_semaphore, #tpu.memory_space<semaphore_mem>>
      %dma_start3A_84 = tpu.memref_squeeze %dma_start3A_83 : memref<1x!tpu.dma_semaphore, #tpu.memory_space<semaphore_mem>> -> memref<!tpu.dma_semaphore, #tpu.memory_space<semaphore_mem>>
      %dma_start3A_85 = arith.constant 0 : i32
      %dma_start3A_86 = tpu.memref_slice %arg4[%add3A_79, %dma_start3A_85] : memref<100000x128xf32, #tpu.memory_space<hbm>> -> memref<224x128xf32, #tpu.memory_space<hbm>>
      %dma_start3A_87 = arith.constant 0 : i32
      %dma_start3A_88 = tpu.memref_slice %arg7[%multiple_of3A, %dma_start3A_87] : memref<448x128xf32, #tpu.memory_space<vmem>> -> memref<224x128xf32, #tpu.memory_space<vmem>>
      tpu.enqueue_dma source(%dma_start3A_88 : memref<224x128xf32, #tpu.memory_space<vmem>>) target(%dma_start3A_86 : memref<224x128xf32, #tpu.memory_space<hbm>>) target_semaphore(%dma_start3A_84 : memref<!tpu.dma_semaphore, #tpu.memory_space<semaphore_mem>>)
      %scan3A_89 = arith.constant 0 : i32
      scf.yield %scan3A_89 : i32
    }
    %scan3A_11 = arith.constant 14 : i32
    %add3A_12 = arith.constant 2688 : i32
    %add3A_13 = arith.addi %mul3A_5, %add3A_12 : i32
    %dma_wait3A = arith.constant 0 : i32
    %dma_wait3A_14 = arith.constant 0 : i32
    %dma_wait3A_15 = arith.constant 0 : i32
    %dma_wait3A_16 = tpu.memref_slice %arg7[%dma_wait3A_14, %dma_wait3A_15] : memref<448x128xf32, #tpu.memory_space<vmem>> -> memref<224x128xf32, #tpu.memory_space<vmem>>
    %dma_wait3A_17 = arith.constant 0 : i32
    %dma_wait3A_18 = tpu.memref_slice %arg4[%add3A_13, %dma_wait3A_17] : memref<100000x128xf32, #tpu.memory_space<hbm>> -> memref<224x128xf32, #tpu.memory_space<hbm>>
    %dma_wait3A_19 = tpu.memref_slice %arg8[%dma_wait3A] : memref<2x!tpu.dma_semaphore, #tpu.memory_space<semaphore_mem>> -> memref<1x!tpu.dma_semaphore, #tpu.memory_space<semaphore_mem>>
    %dma_wait3A_20 = tpu.memref_squeeze %dma_wait3A_19 : memref<1x!tpu.dma_semaphore, #tpu.memory_space<semaphore_mem>> -> memref<!tpu.dma_semaphore, #tpu.memory_space<semaphore_mem>>
    %dma_wait3A_21 = arith.constant 0 : i32
    %dma_wait3A_22 = tpu.memref_slice %arg4[%add3A_13, %dma_wait3A_21] : memref<100000x128xf32, #tpu.memory_space<hbm>> -> memref<224x128xf32, #tpu.memory_space<hbm>>
    %dma_wait3A_23 = arith.constant 0 : i32
    %dma_wait3A_24 = arith.constant 0 : i32
    %dma_wait3A_25 = tpu.memref_slice %arg7[%dma_wait3A_23, %dma_wait3A_24] : memref<448x128xf32, #tpu.memory_space<vmem>> -> memref<224x128xf32, #tpu.memory_space<vmem>>
    tpu.wait_dma2 semaphore(%dma_wait3A_20 : memref<!tpu.dma_semaphore, #tpu.memory_space<semaphore_mem>>) src(%dma_wait3A_25 : memref<224x128xf32, #tpu.memory_space<vmem>>) dst(%dma_wait3A_22 : memref<224x128xf32, #tpu.memory_space<hbm>>)
    %add3A_26 = arith.constant 2912 : i32
    %add3A_27 = arith.addi %mul3A_5, %add3A_26 : i32
    %dma_wait3A_28 = arith.constant 1 : i32
    %dma_wait3A_29 = arith.constant 224 : i32
    %dma_wait3A_30 = arith.constant 0 : i32
    %dma_wait3A_31 = tpu.memref_slice %arg7[%dma_wait3A_29, %dma_wait3A_30] : memref<448x128xf32, #tpu.memory_space<vmem>> -> memref<224x128xf32, #tpu.memory_space<vmem>>
    %dma_wait3A_32 = arith.constant 0 : i32
    %dma_wait3A_33 = tpu.memref_slice %arg4[%add3A_27, %dma_wait3A_32] : memref<100000x128xf32, #tpu.memory_space<hbm>> -> memref<224x128xf32, #tpu.memory_space<hbm>>
    %dma_wait3A_34 = tpu.memref_slice %arg8[%dma_wait3A_28] : memref<2x!tpu.dma_semaphore, #tpu.memory_space<semaphore_mem>> -> memref<1x!tpu.dma_semaphore, #tpu.memory_space<semaphore_mem>>
    %dma_wait3A_35 = tpu.memref_squeeze %dma_wait3A_34 : memref<1x!tpu.dma_semaphore, #tpu.memory_space<semaphore_mem>> -> memref<!tpu.dma_semaphore, #tpu.memory_space<semaphore_mem>>
    %dma_wait3A_36 = arith.constant 0 : i32
    %dma_wait3A_37 = tpu.memref_slice %arg4[%add3A_27, %dma_wait3A_36] : memref<100000x128xf32, #tpu.memory_space<hbm>> -> memref<224x128xf32, #tpu.memory_space<hbm>>
    %dma_wait3A_38 = arith.constant 224 : i32
    %dma_wait3A_39 = arith.constant 0 : i32
    %dma_wait3A_40 = tpu.memref_slice %arg7[%dma_wait3A_38, %dma_wait3A_39] : memref<448x128xf32, #tpu.memory_space<vmem>> -> memref<224x128xf32, #tpu.memory_space<vmem>>
    tpu.wait_dma2 semaphore(%dma_wait3A_35 : memref<!tpu.dma_semaphore, #tpu.memory_space<semaphore_mem>>) src(%dma_wait3A_40 : memref<224x128xf32, #tpu.memory_space<vmem>>) dst(%dma_wait3A_37 : memref<224x128xf32, #tpu.memory_space<hbm>>)
    return
  }
}

module attributes {stable_mosaic.version = 14 : i64} {
  func.func @_pool_body(%arg0: i32, %arg1: memref<4000x128xf32, #tpu.memory_space<vmem>>, %arg2: memref<1x1x4000xi32, #tpu.memory_space<vmem>>, %arg3: memref<128x4xf32, #tpu.memory_space<vmem>>, %arg4: memref<1x4xf32, #tpu.memory_space<vmem>>, %arg5: memref<128x128xf32, #tpu.memory_space<vmem>>, %arg6: memref<1x128xf32, #tpu.memory_space<vmem>>, %arg7: memref<4x128xf32, #tpu.memory_space<vmem>>, %arg8: memref<256x128xf32, #tpu.memory_space<vmem>>, %arg9: memref<256x4xf32, #tpu.memory_space<vmem>>, %arg10: memref<256x128xf32, #tpu.memory_space<vmem>>) attributes {dimension_semantics = [#tpu.dimension_semantics<arbitrary>], iteration_bounds = array<i64: 25>, scalar_prefetch = 0 : i64, scratch_operands = 2 : i64, tpu.core_type = #tpu.core_type<tc>, window_params = [{transform_indices = @transform_0, window_bounds = array<i64: 4000, 128>}, {transform_indices = @transform_1, window_bounds = array<i64: 1, 1, 4000>}, {pipeline_mode = #tpu.pipeline_mode<synchronous>, transform_indices = @transform_2, window_bounds = array<i64: 128, 4>}, {pipeline_mode = #tpu.pipeline_mode<synchronous>, transform_indices = @transform_3, window_bounds = array<i64: 1, 4>}, {pipeline_mode = #tpu.pipeline_mode<synchronous>, transform_indices = @transform_4, window_bounds = array<i64: 128, 128>}, {pipeline_mode = #tpu.pipeline_mode<synchronous>, transform_indices = @transform_5, window_bounds = array<i64: 1, 128>}, {pipeline_mode = #tpu.pipeline_mode<synchronous>, transform_indices = @transform_6, window_bounds = array<i64: 4, 128>}, {pipeline_mode = #tpu.pipeline_mode<synchronous>, transform_indices = @transform_7, window_bounds = array<i64: 256, 128>}]} {
    %eq3A = arith.constant 0 : i32
    %eq3A_0 = arith.cmpi eq, %arg0, %eq3A : i32
    %convert_element_type3A = arith.extui %eq3A_0 : i1 to i32
    %cond3A = arith.constant 0 : i32
    %cond3A_1 = arith.cmpi ne, %convert_element_type3A, %cond3A : i32
    scf.if %cond3A_1 {
      %broadcast_in_dim3A = arith.constant 0.000000e+00 : f32
      %broadcast_in_dim3A_105 = vector.broadcast %broadcast_in_dim3A : f32 to vector<256x4xf32>
      %swap3A = arith.constant 0 : index
      %swap3A_106 = arith.constant 0 : index
      %swap3A_107 = vector.load %arg9[%swap3A, %swap3A_106] : memref<256x4xf32, #tpu.memory_space<vmem>>, vector<256x4xf32>
      tpu.vector_store %arg9[%swap3A, %swap3A_106], %broadcast_in_dim3A_105 {strides = array<i32>} : memref<256x4xf32, #tpu.memory_space<vmem>>, vector<256x4xf32>,
      %broadcast_in_dim3A_108 = arith.constant 0.000000e+00 : f32
      %broadcast_in_dim3A_109 = vector.broadcast %broadcast_in_dim3A_108 : f32 to vector<256x128xf32>
      %swap3A_110 = arith.constant 0 : index
      %swap3A_111 = arith.constant 0 : index
      %swap3A_112 = vector.load %arg10[%swap3A_110, %swap3A_111] : memref<256x128xf32, #tpu.memory_space<vmem>>, vector<256x128xf32>
      tpu.vector_store %arg10[%swap3A_110, %swap3A_111], %broadcast_in_dim3A_109 {strides = array<i32>} : memref<256x128xf32, #tpu.memory_space<vmem>>, vector<256x128xf32>,
    } else {
    }
    %get3A = arith.constant 0 : index
    %get3A_2 = arith.constant 0 : index
    %get3A_3 = vector.load %arg1[%get3A, %get3A_2] : memref<4000x128xf32, #tpu.memory_space<vmem>>, vector<4000x128xf32>
    %convert_element_type3A_4 = arith.truncf %get3A_3 : vector<4000x128xf32> to vector<4000x128xbf16>
    %get3A_5 = arith.constant 0 : index
    %get3A_6 = arith.constant 0 : index
    %get3A_7 = vector.load %arg3[%get3A_5, %get3A_6] : memref<128x4xf32, #tpu.memory_space<vmem>>, vector<128x4xf32>
    %convert_element_type3A_8 = arith.truncf %get3A_7 : vector<128x4xf32> to vector<128x4xbf16>
    %dot_general3A = arith.constant dense<0.000000e+00> : vector<4000x4xf32>
    %dot_general3A_9 = tpu.matmul %convert_element_type3A_4, %convert_element_type3A_8, %dot_general3A {dimension_numbers = #tpu.dot_dimension_numbers<[1], [0], [0], [1], [0, 0, 1, 1], [], []>, transpose_lhs_hint = false} : vector<4000x128xbf16>, vector<128x4xbf16>, vector<4000x4xf32> -> vector<4000x4xf32>
    %get3A_10 = arith.constant 0 : index
    %get3A_11 = arith.constant 0 : index
    %get3A_12 = vector.load %arg4[%get3A_10, %get3A_11] : memref<1x4xf32, #tpu.memory_space<vmem>>, vector<1x4xf32>
    %add3A = vector.broadcast %get3A_12 : vector<1x4xf32> to vector<4000x4xf32>
    %add3A_13 = arith.addf %dot_general3A_9, %add3A : vector<4000x4xf32>
    %get3A_14 = arith.constant 0 : index
    %get3A_15 = arith.constant 0 : index
    %get3A_16 = vector.load %arg5[%get3A_14, %get3A_15] : memref<128x128xf32, #tpu.memory_space<vmem>>, vector<128x128xf32>
    %convert_element_type3A_17 = arith.truncf %get3A_16 : vector<128x128xf32> to vector<128x128xbf16>
    %dot_general3A_18 = arith.constant dense<0.000000e+00> : vector<4000x128xf32>
    %dot_general3A_19 = tpu.matmul %convert_element_type3A_4, %convert_element_type3A_17, %dot_general3A_18 {dimension_numbers = #tpu.dot_dimension_numbers<[1], [0], [0], [1], [0, 0, 1, 1], [], []>, transpose_lhs_hint = false} : vector<4000x128xbf16>, vector<128x128xbf16>, vector<4000x128xf32> -> vector<4000x128xf32>
    %get3A_20 = arith.constant 0 : index
    %get3A_21 = arith.constant 0 : index
    %get3A_22 = vector.load %arg6[%get3A_20, %get3A_21] : memref<1x128xf32, #tpu.memory_space<vmem>>, vector<1x128xf32>
    %add3A_23 = vector.broadcast %get3A_22 : vector<1x128xf32> to vector<4000x128xf32>
    %add3A_24 = arith.addf %dot_general3A_19, %add3A_23 : vector<4000x128xf32>
    %exp3A = math.exp %add3A_13 : vector<4000x4xf32>
    %get3A_25 = arith.constant 0 : index
    %get3A_26 = arith.constant 0 : index
    %get3A_27 = arith.constant 0 : index
    %get3A_28 = vector.load %arg2[%get3A_25, %get3A_26, %get3A_27] : memref<1x1x4000xi32, #tpu.memory_space<vmem>>, vector<1x1x4000xi32>
    %squeeze3A = vector.shape_cast %get3A_28 : vector<1x1x4000xi32> to vector<1x4000xi32>
    %get3A_29 = arith.constant 0 : index
    %get3A_30 = arith.constant 0 : index
    %get3A_31 = vector.load %arg7[%get3A_29, %get3A_30] : memref<4x128xf32, #tpu.memory_space<vmem>>, vector<4x128xf32>
    %dot_general3A_32 = arith.constant dense<0.000000e+00> : vector<4000x128xf32>
    %dot_general3A_33 = tpu.matmul %exp3A, %get3A_31, %dot_general3A_32 {dimension_numbers = #tpu.dot_dimension_numbers<[1], [0], [0], [1], [0, 0, 1, 1], [], []>, transpose_lhs_hint = false} : vector<4000x4xf32>, vector<4x128xf32>, vector<4000x128xf32> -> vector<4000x128xf32>
    %mul3A = arith.mulf %dot_general3A_33, %add3A_24 : vector<4000x128xf32>
    %convert_element_type3A_34 = arith.truncf %mul3A : vector<4000x128xf32> to vector<4000x128xbf16>
    %reduce_min3A = vector.shape_cast %squeeze3A : vector<1x4000xi32> to vector<1x1x4000xi32>
    %reduce_min3A_35 = arith.constant dense<2147483647> : vector<1xi32>
    %reduce_min3A_36 = vector.multi_reduction <minsi>, %reduce_min3A, %reduce_min3A_35 [1, 2] : vector<1x1x4000xi32> to vector<1xi32>
    %reduce_min3A_37 = vector.shape_cast %reduce_min3A_36 : vector<1xi32> to vector<1x1x1xi32>
    %reduce_min3A_38 = vector.extract %reduce_min3A_37[0, 0, 0] : i32 from vector<1x1x1xi32>
    %min3A = arith.constant 255 : i32
    %min3A_39 = arith.minsi %reduce_min3A_38, %min3A : i32
    %reduce_max3A = vector.shape_cast %squeeze3A : vector<1x4000xi32> to vector<1x1x4000xi32>
    %reduce_max3A_40 = arith.constant dense<-2147483648> : vector<1xi32>
    %reduce_max3A_41 = vector.multi_reduction <maxsi>, %reduce_max3A, %reduce_max3A_40 [1, 2] : vector<1x1x4000xi32> to vector<1xi32>
    %reduce_max3A_42 = vector.shape_cast %reduce_max3A_41 : vector<1xi32> to vector<1x1x1xi32>
    %reduce_max3A_43 = vector.extract %reduce_max3A_42[0, 0, 0] : i32 from vector<1x1x1xi32>
    %min3A_44 = arith.constant 255 : i32
    %min3A_45 = arith.minsi %reduce_max3A_43, %min3A_44 : i32
    %jit3A = arith.constant 32 : i32
    %div3A = arith.divsi %min3A_39, %jit3A : i32
    %sign3A = arith.constant 0 : i32
    %sign3A_46 = arith.cmpi sgt, %min3A_39, %sign3A : i32
    %sign3A_47 = arith.extui %sign3A_46 : i1 to i32
    %sign3A_48 = arith.constant 0 : i32
    %sign3A_49 = arith.cmpi slt, %min3A_39, %sign3A_48 : i32
    %sign3A_50 = arith.extui %sign3A_49 : i1 to i32
    %sign3A_51 = arith.subi %sign3A_47, %sign3A_50 : i32
    %sign3A_52 = arith.constant 0 : i32
    %sign3A_53 = arith.cmpi sgt, %jit3A, %sign3A_52 : i32
    %sign3A_54 = arith.extui %sign3A_53 : i1 to i32
    %sign3A_55 = arith.constant 0 : i32
    %sign3A_56 = arith.cmpi slt, %jit3A, %sign3A_55 : i32
    %sign3A_57 = arith.extui %sign3A_56 : i1 to i32
    %sign3A_58 = arith.subi %sign3A_54, %sign3A_57 : i32
    %ne3A = arith.cmpi ne, %sign3A_51, %sign3A_58 : i32
    %rem3A = arith.remsi %min3A_39, %jit3A : i32
    %ne3A_59 = arith.constant 0 : i32
    %ne3A_60 = arith.cmpi ne, %rem3A, %ne3A_59 : i32
    %and3A = arith.andi %ne3A, %ne3A_60 : i1
    %sub3A = arith.constant 1 : i32
    %sub3A_61 = arith.subi %div3A, %sub3A : i32
    %select_n3A = arith.select %and3A, %sub3A_61, %div3A : i32
    %jit3A_62 = arith.constant 32 : i32
    %div3A_63 = arith.divsi %min3A_45, %jit3A_62 : i32
    %sign3A_64 = arith.constant 0 : i32
    %sign3A_65 = arith.cmpi sgt, %min3A_45, %sign3A_64 : i32
    %sign3A_66 = arith.extui %sign3A_65 : i1 to i32
    %sign3A_67 = arith.constant 0 : i32
    %sign3A_68 = arith.cmpi slt, %min3A_45, %sign3A_67 : i32
    %sign3A_69 = arith.extui %sign3A_68 : i1 to i32
    %sign3A_70 = arith.subi %sign3A_66, %sign3A_69 : i32
    %sign3A_71 = arith.constant 0 : i32
    %sign3A_72 = arith.cmpi sgt, %jit3A_62, %sign3A_71 : i32
    %sign3A_73 = arith.extui %sign3A_72 : i1 to i32
    %sign3A_74 = arith.constant 0 : i32
    %sign3A_75 = arith.cmpi slt, %jit3A_62, %sign3A_74 : i32
    %sign3A_76 = arith.extui %sign3A_75 : i1 to i32
    %sign3A_77 = arith.subi %sign3A_73, %sign3A_76 : i32
    %ne3A_78 = arith.cmpi ne, %sign3A_70, %sign3A_77 : i32
    %rem3A_79 = arith.remsi %min3A_45, %jit3A_62 : i32
    %ne3A_80 = arith.constant 0 : i32
    %ne3A_81 = arith.cmpi ne, %rem3A_79, %ne3A_80 : i32
    %and3A_82 = arith.andi %ne3A_78, %ne3A_81 : i1
    %sub3A_83 = arith.constant 1 : i32
    %sub3A_84 = arith.subi %div3A_63, %sub3A_83 : i32
    %select_n3A_85 = arith.select %and3A_82, %sub3A_84, %div3A_63 : i32
    %sub3A_86 = arith.subi %select_n3A_85, %select_n3A : i32
    %add3A_87 = arith.constant 1 : i32
    %add3A_88 = arith.addi %sub3A_86, %add3A_87 : i32
    %while3A = arith.constant 0 : i32
    %while3A_89 = arith.constant 0 : i32
    %while3A_90 = arith.subi %add3A_88, %while3A : i32
    %while3A_91 = arith.addi %while3A, %while3A_90 : i32
    %while3A_92 = arith.constant 1 : i32
    %while3A_93 = arith.divsi %while3A_90, %while3A_92 : i32
    %while3A_94 = arith.muli %while3A_93, %while3A_92 : i32
    %while3A_95 = arith.addi %while3A, %while3A_94 : i32
    %while3A_96 = arith.constant 1 : i32
    %while3A_97 = scf.for %while3A_105 = %while3A to %while3A_95 step %while3A_96 iter_args(%while3A_106 = %while3A_89) -> (i32)  : i32 {
      %add3A_107 = arith.addi %select_n3A, %while3A_105 : i32
      %mul3A_108 = arith.constant 32 : i32
      %mul3A_109 = arith.muli %add3A_107, %mul3A_108 : i32
      %multiple_of3A = tpu.assume_multiple %mul3A_109, 32 : i32
      %iota3A = tpu.iota {dimensions = array<i32: 0>} : vector<32x1xi32>
      %add3A_110 = vector.broadcast %multiple_of3A : i32 to vector<32x1xi32>
      %add3A_111 = arith.addi %add3A_110, %iota3A : vector<32x1xi32>
      %eq3A_112 = vector.broadcast %add3A_111 : vector<32x1xi32> to vector<32x4000xi32>
      %eq3A_113 = vector.broadcast %squeeze3A : vector<1x4000xi32> to vector<32x4000xi32>
      %eq3A_114 = arith.cmpi eq, %eq3A_112, %eq3A_113 : vector<32x4000xi32>
      %convert_element_type3A_115 = arith.extui %eq3A_114 : vector<32x4000xi1> to vector<32x4000xi32>
      %convert_element_type3A_116 = arith.sitofp %convert_element_type3A_115 : vector<32x4000xi32> to vector<32x4000xf32>
      %get3A_117 = arith.index_cast %multiple_of3A : i32 to index
      %get3A_118 = arith.constant 0 : index
      %get3A_119 = vector.load %arg9[%get3A_117, %get3A_118] : memref<256x4xf32, #tpu.memory_space<vmem>>, vector<32x4xf32>
      %dot_general3A_120 = arith.constant dense<0.000000e+00> : vector<32x4xf32>
      %dot_general3A_121 = tpu.matmul %convert_element_type3A_116, %exp3A, %dot_general3A_120 {dimension_numbers = #tpu.dot_dimension_numbers<[1], [0], [0], [1], [0, 0, 1, 1], [], []>, transpose_lhs_hint = false} : vector<32x4000xf32>, vector<4000x4xf32>, vector<32x4xf32> -> vector<32x4xf32>
      %add3A_122 = arith.addf %get3A_119, %dot_general3A_121 : vector<32x4xf32>
      %swap3A = arith.index_cast %multiple_of3A : i32 to index
      %swap3A_123 = arith.constant 0 : index
      %swap3A_124 = vector.load %arg9[%swap3A, %swap3A_123] : memref<256x4xf32, #tpu.memory_space<vmem>>, vector<32x4xf32>
      tpu.vector_store %arg9[%swap3A, %swap3A_123], %add3A_122 {strides = array<i32>} : memref<256x4xf32, #tpu.memory_space<vmem>>, vector<32x4xf32>,
      %get3A_125 = arith.index_cast %multiple_of3A : i32 to index
      %get3A_126 = arith.constant 0 : index
      %get3A_127 = vector.load %arg10[%get3A_125, %get3A_126] : memref<256x128xf32, #tpu.memory_space<vmem>>, vector<32x128xf32>
      %convert_element_type3A_128 = arith.truncf %convert_element_type3A_116 : vector<32x4000xf32> to vector<32x4000xbf16>
      %dot_general3A_129 = arith.constant dense<0.000000e+00> : vector<32x128xf32>
      %dot_general3A_130 = tpu.matmul %convert_element_type3A_128, %convert_element_type3A_34, %dot_general3A_129 {dimension_numbers = #tpu.dot_dimension_numbers<[1], [0], [0], [1], [0, 0, 1, 1], [], []>, transpose_lhs_hint = false} : vector<32x4000xbf16>, vector<4000x128xbf16>, vector<32x128xf32> -> vector<32x128xf32>
      %add3A_131 = arith.addf %get3A_127, %dot_general3A_130 : vector<32x128xf32>
      %swap3A_132 = arith.index_cast %multiple_of3A : i32 to index
      %swap3A_133 = arith.constant 0 : index
      %swap3A_134 = vector.load %arg10[%swap3A_132, %swap3A_133] : memref<256x128xf32, #tpu.memory_space<vmem>>, vector<32x128xf32>
      tpu.vector_store %arg10[%swap3A_132, %swap3A_133], %add3A_131 {strides = array<i32>} : memref<256x128xf32, #tpu.memory_space<vmem>>, vector<32x128xf32>,
      %while3A_135 = arith.constant 0 : i32
      scf.yield %while3A_135 : i32
    }
    %while3A_98 = arith.constant 1 : i32
    %while3A_99 = scf.for %while3A_105 = %while3A_95 to %while3A_91 step %while3A_98 iter_args(%while3A_106 = %while3A_97) -> (i32)  : i32 {
      %add3A_107 = arith.addi %select_n3A, %while3A_105 : i32
      %mul3A_108 = arith.constant 32 : i32
      %mul3A_109 = arith.muli %add3A_107, %mul3A_108 : i32
      %multiple_of3A = tpu.assume_multiple %mul3A_109, 32 : i32
      %iota3A = tpu.iota {dimensions = array<i32: 0>} : vector<32x1xi32>
      %add3A_110 = vector.broadcast %multiple_of3A : i32 to vector<32x1xi32>
      %add3A_111 = arith.addi %add3A_110, %iota3A : vector<32x1xi32>
      %eq3A_112 = vector.broadcast %add3A_111 : vector<32x1xi32> to vector<32x4000xi32>
      %eq3A_113 = vector.broadcast %squeeze3A : vector<1x4000xi32> to vector<32x4000xi32>
      %eq3A_114 = arith.cmpi eq, %eq3A_112, %eq3A_113 : vector<32x4000xi32>
      %convert_element_type3A_115 = arith.extui %eq3A_114 : vector<32x4000xi1> to vector<32x4000xi32>
      %convert_element_type3A_116 = arith.sitofp %convert_element_type3A_115 : vector<32x4000xi32> to vector<32x4000xf32>
      %get3A_117 = arith.index_cast %multiple_of3A : i32 to index
      %get3A_118 = arith.constant 0 : index
      %get3A_119 = vector.load %arg9[%get3A_117, %get3A_118] : memref<256x4xf32, #tpu.memory_space<vmem>>, vector<32x4xf32>
      %dot_general3A_120 = arith.constant dense<0.000000e+00> : vector<32x4xf32>
      %dot_general3A_121 = tpu.matmul %convert_element_type3A_116, %exp3A, %dot_general3A_120 {dimension_numbers = #tpu.dot_dimension_numbers<[1], [0], [0], [1], [0, 0, 1, 1], [], []>, transpose_lhs_hint = false} : vector<32x4000xf32>, vector<4000x4xf32>, vector<32x4xf32> -> vector<32x4xf32>
      %add3A_122 = arith.addf %get3A_119, %dot_general3A_121 : vector<32x4xf32>
      %swap3A = arith.index_cast %multiple_of3A : i32 to index
      %swap3A_123 = arith.constant 0 : index
      %swap3A_124 = vector.load %arg9[%swap3A, %swap3A_123] : memref<256x4xf32, #tpu.memory_space<vmem>>, vector<32x4xf32>
      tpu.vector_store %arg9[%swap3A, %swap3A_123], %add3A_122 {strides = array<i32>} : memref<256x4xf32, #tpu.memory_space<vmem>>, vector<32x4xf32>,
      %get3A_125 = arith.index_cast %multiple_of3A : i32 to index
      %get3A_126 = arith.constant 0 : index
      %get3A_127 = vector.load %arg10[%get3A_125, %get3A_126] : memref<256x128xf32, #tpu.memory_space<vmem>>, vector<32x128xf32>
      %convert_element_type3A_128 = arith.truncf %convert_element_type3A_116 : vector<32x4000xf32> to vector<32x4000xbf16>
      %dot_general3A_129 = arith.constant dense<0.000000e+00> : vector<32x128xf32>
      %dot_general3A_130 = tpu.matmul %convert_element_type3A_128, %convert_element_type3A_34, %dot_general3A_129 {dimension_numbers = #tpu.dot_dimension_numbers<[1], [0], [0], [1], [0, 0, 1, 1], [], []>, transpose_lhs_hint = false} : vector<32x4000xbf16>, vector<4000x128xbf16>, vector<32x128xf32> -> vector<32x128xf32>
      %add3A_131 = arith.addf %get3A_127, %dot_general3A_130 : vector<32x128xf32>
      %swap3A_132 = arith.index_cast %multiple_of3A : i32 to index
      %swap3A_133 = arith.constant 0 : index
      %swap3A_134 = vector.load %arg10[%swap3A_132, %swap3A_133] : memref<256x128xf32, #tpu.memory_space<vmem>>, vector<32x128xf32>
      tpu.vector_store %arg10[%swap3A_132, %swap3A_133], %add3A_131 {strides = array<i32>} : memref<256x128xf32, #tpu.memory_space<vmem>>, vector<32x128xf32>,
      %while3A_135 = arith.constant 0 : i32
      scf.yield %while3A_135 : i32
    }
    %eq3A_100 = arith.constant 24 : i32
    %eq3A_101 = arith.cmpi eq, %arg0, %eq3A_100 : i32
    %convert_element_type3A_102 = arith.extui %eq3A_101 : i1 to i32
    %cond3A_103 = arith.constant 0 : i32
    %cond3A_104 = arith.cmpi ne, %convert_element_type3A_102, %cond3A_103 : i32
    scf.if %cond3A_104 {
      %get3A_105 = arith.constant 0 : index
      %get3A_106 = arith.constant 0 : index
      %get3A_107 = vector.load %arg9[%get3A_105, %get3A_106] : memref<256x4xf32, #tpu.memory_space<vmem>>, vector<256x4xf32>
      %get3A_108 = arith.constant 0 : index
      %get3A_109 = arith.constant 0 : index
      %get3A_110 = vector.load %arg7[%get3A_108, %get3A_109] : memref<4x128xf32, #tpu.memory_space<vmem>>, vector<4x128xf32>
      %dot_general3A_111 = arith.constant dense<0.000000e+00> : vector<256x128xf32>
      %dot_general3A_112 = tpu.matmul %get3A_107, %get3A_110, %dot_general3A_111 {dimension_numbers = #tpu.dot_dimension_numbers<[1], [0], [0], [1], [0, 0, 1, 1], [], []>, transpose_lhs_hint = false} : vector<256x4xf32>, vector<4x128xf32>, vector<256x128xf32> -> vector<256x128xf32>
      %get3A_113 = arith.constant 0 : index
      %get3A_114 = arith.constant 0 : index
      %get3A_115 = vector.load %arg10[%get3A_113, %get3A_114] : memref<256x128xf32, #tpu.memory_space<vmem>>, vector<256x128xf32>
      %add3A_116 = arith.constant 9.99999971E-10 : f32
      %add3A_117 = vector.broadcast %add3A_116 : f32 to vector<256x128xf32>
      %add3A_118 = arith.addf %dot_general3A_112, %add3A_117 : vector<256x128xf32>
      %div3A_119 = arith.divf %get3A_115, %add3A_118 : vector<256x128xf32>
      %swap3A = arith.constant 0 : index
      %swap3A_120 = arith.constant 0 : index
      %swap3A_121 = vector.load %arg8[%swap3A, %swap3A_120] : memref<256x128xf32, #tpu.memory_space<vmem>>, vector<256x128xf32>
      tpu.vector_store %arg8[%swap3A, %swap3A_120], %div3A_119 {strides = array<i32>} : memref<256x128xf32, #tpu.memory_space<vmem>>, vector<256x128xf32>,
    } else {
    }
    return
  }
  func.func @transform_0(%arg0: i32) -> (i32, i32) {
    %c0_i32 = arith.constant 0 : i32
    %c0_i32_0 = arith.constant 0 : i32
    return %arg0, %c0_i32 : i32, i32
  }
  func.func @transform_1(%arg0: i32) -> (i32, i32, i32) {
    %c0_i32 = arith.constant 0 : i32
    %c0_i32_0 = arith.constant 0 : i32
    %c0_i32_1 = arith.constant 0 : i32
    return %arg0, %c0_i32, %c0_i32_0 : i32, i32, i32
  }
  func.func @transform_2(%arg0: i32) -> (i32, i32) {
    %c0_i32 = arith.constant 0 : i32
    %c0_i32_0 = arith.constant 0 : i32
    %c0_i32_1 = arith.constant 0 : i32
    return %c0_i32, %c0_i32_0 : i32, i32
  }
  func.func @transform_3(%arg0: i32) -> (i32, i32) {
    %c0_i32 = arith.constant 0 : i32
    %c0_i32_0 = arith.constant 0 : i32
    %c0_i32_1 = arith.constant 0 : i32
    return %c0_i32, %c0_i32_0 : i32, i32
  }
  func.func @transform_4(%arg0: i32) -> (i32, i32) {
    %c0_i32 = arith.constant 0 : i32
    %c0_i32_0 = arith.constant 0 : i32
    %c0_i32_1 = arith.constant 0 : i32
    return %c0_i32, %c0_i32_0 : i32, i32
  }
  func.func @transform_5(%arg0: i32) -> (i32, i32) {
    %c0_i32 = arith.constant 0 : i32
    %c0_i32_0 = arith.constant 0 : i32
    %c0_i32_1 = arith.constant 0 : i32
    return %c0_i32, %c0_i32_0 : i32, i32
  }
  func.func @transform_6(%arg0: i32) -> (i32, i32) {
    %c0_i32 = arith.constant 0 : i32
    %c0_i32_0 = arith.constant 0 : i32
    %c0_i32_1 = arith.constant 0 : i32
    return %c0_i32, %c0_i32_0 : i32, i32
  }
  func.func @transform_7(%arg0: i32) -> (i32, i32) {
    %c0_i32 = arith.constant 0 : i32
    %c0_i32_0 = arith.constant 0 : i32
    %c0_i32_1 = arith.constant 0 : i32
    return %c0_i32, %c0_i32_0 : i32, i32
  }
}

</mosaic_0001>

<sc_bundles>
// kernel: kernel.4.cloned.1.call-start
scs
__scs_entry_jumppad:
0x0: {  	(pc) =	sbr.rel $0x88, $3  }
0x1: {  	(tag) =	ssettag $0x0;
	lr =	simm.s32 $0x1  }
0x2: {  	[smem:$0x3F9B] =	sst lr;
	_ =	strace $0xD0000000  }
0x3: {  	_ = 	snop  }
0x4: {  	_ = 	snop  }
0x5: {  	_ = 	snop  }
0x6: {  	_ = 	snop  }
0x7: {  	_ = 	snop  }
__scs_overlays_trampoline_lowered:
0x8: {  	[smem:$0x3FAA] =	sst s0  }
0x9: {  	[smem:$0x3FAB] =	sst s1  }
0xa: {  	[smem:$0x3FAC] =	sst s2  }
0xb: {  	[smem:$0x3FAD] =	sst s3  }
0xc: {  	[smem:$0x3FAE] =	sst s4  }
0xd: {  	[smem:$0x3FAF] =	sst s5  }
0xe: {  	[smem:$0x3FB0] =	sst s6  }
0xf: {  	[smem:$0x3FB1] =	sst s7  }
0x10: {  	[smem:$0x3FB2] =	sst s8  }
0x11: {  	[smem:$0x3FB3] =	sst s9;
	s0 =	simm.s32 @!p0 $0x0  }
0x12: {  	s1 =	sld [smem:$0x3F99];
	s0 =	simm.s32 @p0 $0x1  }
0x13: {  	[smem:$0x3FB4] =	sst s0;
	s0 =	simm.s32 @!p1 $0x0  }
0x14: {  	s2 =	sld [smem:$0x3F98];
	s0 =	simm.s32 @p1 $0x1  }
0x15: {  	[smem:$0x3FB5] =	sst s0;
	s0 =	simm.s32 @!p2 $0x0  }
0x16: {  	s3 =	sld [smem:$0x3FDB];
	s0 =	simm.s32 @p2 $0x1  }
0x17: {  	s4 =	simm.s32 $0x1BF5;
	[smem:$0x3FB7] =	sst s0  }
0x18: {  	s0 =	sld [smem:$0x3F9A];
	_ =	swait.ge [sflag:s4], $0x0  }
0x19: {  	s7 =	sld [smem:$0x3F9B]  }
0x1a: {  	s8 =	sadd.s32 $0xFFFFE003, lr  }
0x1b: {  	s9 =	sadd.s32 $0xFFFFFEF7, lr;
	s5 =	simm.s32 $0xFFFFFFFF;
	p2 =	slt.u32 s8, $0xFFFFF086  }
0x1c: {  	p1 =	slt.u32 s9, $0xF7A;
	s5 =	simm.s32 @!p2 $0x0  }
0x1d: {  	s5 =	simm.s32 @p1 $0x1;
	p0 =	seq.s32 s7, s2  }
0x1e: {  	s7 =	smul.u32 @!p0 $0xF7A, s2;
	p2 =	seq.s32 @!p0 s5, $0x0  }
0x1f: {  	s9 =	smul.u32 $0xF7A, s1;
	s8 =	simm.s32 @!p0 $0x1BF5;
	p2 =	por !p2, p0  }
0x20: {  	[sflag:s8] =	ssyncset.s32 @!p0 $0xFFFFF086;
	s6 =	sadd.s32 @!p0 s3, s7;
	s7 =	simm.s32 @!p0 $0x108  }
0x21: {  	s3 =	sadd.s32 s3, s9;
	s6 =	sadd.s32 @!p0 $0x88, s6;
	s7 =	simm.s32 @p2 $0x1082  }
0x22: {  	[simem:s7], [sflag:s8] =	dma.local @!p0 [hbm:s6], $0xF7A  }
0x23: {  	s9 =	sor.u32 $0xD0000000, s2;
	s6 =	simm.s32 $0x108;
	_ =	swait.ge @!p0 [sflag:s8], $0x0  }
0x24: {  	s3 =	sadd.s32 $0x88, s3;
	s6 =	simm.s32 @!p1 $0x1082;
	[sflag:s4] =	ssyncset.s32 $0xFFFFF086  }
0x25: {  	[simem:s6], [sflag:s4] =	dma.local [hbm:s3], $0xF7A  }
0x26: {  	[smem:$0x3F9B] =	sst s1;
	(tag) =	ssettag s2;
	_ =	strace s9  }
0x27: {  	s1 =	sld [smem:$0x3FAB]  }
0x28: {  	s2 =	sld [smem:$0x3FAC]  }
0x29: {  	s4 =	sld [smem:$0x3FAE]  }
0x2a: {  	p0 =	seq.s32 s5, $0x0;
	s5 =	sld [smem:$0x3FAF]  }
0x2b: {  	s6 =	sld [smem:$0x3FB0]  }
0x2c: {  	s7 =	sld [smem:$0x3FB1]  }
0x2d: {  	s3 =	simm.s32 $0x108;
	s8 =	sld [smem:$0x3FB2]  }
0x2e: {  	s3 =	simm.s32 @!p0 $0x1082;
	s9 =	sld [smem:$0x3FB3]  }
0x2f: {  	lr =	sadd.s32 s0, s3;
	s0 =	sld [smem:$0x3FAA]  }
0x30: {  	s3 =	sld [smem:$0x3FAD]  }
0x31: {  	[smem:$0x3FB6] =	sst s10  }
0x32: {  	s10 =	sld [smem:$0x3FB4];
	_ =	sdelay $0x3  }
0x33: {  	p0 =	seq.s32 s10, $0x1;
	s10 =	sld [smem:$0x3FB6];
	_ =	sdelay $0x3  }
0x34: {  	[smem:$0x3FB6] =	sst s10  }
0x35: {  	s10 =	sld [smem:$0x3FB5];
	_ =	sdelay $0x3  }
0x36: {  	p1 =	seq.s32 s10, $0x1;
	s10 =	sld [smem:$0x3FB6];
	_ =	sdelay $0x3  }
0x37: {  	[smem:$0x3FB6] =	sst s10  }
0x38: {  	s10 =	sld [smem:$0x3FB7]  }
0x39: {  	_ = 	snop;
	(pc) =	sbr.ind lr, $3  }
0x3a: {  	_ = 	snop  }
0x3b: {  	_ = 	snop  }
0x3c: {  	p2 =	seq.s32 s10, $0x1;
	s10 =	sld [smem:$0x3FB6]  }
0x3d: {  	_ =	shalt  }
0x3e: {  	_ =	shalt  }
0x3f: {  	_ =	shalt  }
0x40: {  	_ =	shalt  }
0x41: {  	_ =	shalt  }
0x42: {  	_ =	shalt  }
0x43: {  	_ =	shalt  }
0x44: {  	_ =	shalt  }
0x45: {  	_ =	shalt  }
0x46: {  	_ =	shalt  }
0x47: {  	_ =	shalt  }
0x48: {  	_ =	shalt  }
0x49: {  	_ =	shalt  }
0x4a: {  	_ =	shalt  }
0x4b: {  	_ =	shalt  }
0x4c: {  	_ =	shalt  }
0x4d: {  	_ =	shalt  }
0x4e: {  	_ =	shalt  }
0x4f: {  	_ =	shalt  }
0x50: {  	_ =	shalt  }
0x51: {  	_ =	shalt  }
0x52: {  	_ =	shalt  }
0x53: {  	_ =	shalt  }
0x54: {  	_ =	shalt  }
0x55: {  	_ =	shalt  }
0x56: {  	_ =	shalt  }
0x57: {  	_ =	shalt  }
0x58: {  	_ =	shalt  }
0x59: {  	_ =	shalt  }
0x5a: {  	_ =	shalt  }
0x5b: {  	_ =	shalt  }
0x5c: {  	_ =	shalt  }
0x5d: {  	_ =	shalt  }
0x5e: {  	_ =	shalt  }
0x5f: {  	_ =	shalt  }
0x60: {  	_ =	shalt  }
0x61: {  	_ =	shalt  }
0x62: {  	_ =	shalt  }
0x63: {  	_ =	shalt  }
0x64: {  	_ =	shalt  }
0x65: {  	_ =	shalt  }
0x66: {  	_ =	shalt  }
0x67: {  	_ =	shalt  }
0x68: {  	_ =	shalt  }
0x69: {  	_ =	shalt  }
0x6a: {  	_ =	shalt  }
0x6b: {  	_ =	shalt  }
0x6c: {  	_ =	shalt  }
0x6d: {  	_ =	shalt  }
0x6e: {  	_ =	shalt  }
0x6f: {  	_ =	shalt  }
0x70: {  	_ =	shalt  }
0x71: {  	_ =	shalt  }
0x72: {  	_ =	shalt  }
0x73: {  	_ =	shalt  }
0x74: {  	_ =	shalt  }
0x75: {  	_ =	shalt  }
0x76: {  	_ =	shalt  }
0x77: {  	_ =	shalt  }
0x78: {  	_ =	shalt  }
0x79: {  	_ =	shalt  }
0x7a: {  	_ =	shalt  }
0x7b: {  	_ =	shalt  }
0x7c: {  	_ =	shalt  }
0x7d: {  	_ =	shalt  }
0x7e: {  	_ =	shalt  }
0x7f: {  	_ =	shalt  }
0x80: {  	_ =	shalt  }
0x81: {  	_ =	shalt  }
0x82: {  	_ =	shalt  }
0x83: {  	_ =	shalt  }
0x84: {  	_ =	shalt  }
0x85: {  	_ =	shalt  }
0x86: {  	_ =	shalt  }
0x87: {  	_ =	shalt  }
.Lfunc_end0:
.L_simem_size_0:
called_computation_lowered:
.L_overlay_start_0:
0x88: {  	s2 =	sld [smem:$0x3FD9]  }
0x89: {  	s3 =	sld [smem:$0x3FFE];
	_ =	sdelay $0x1  }
0x8a: {  	s1 =	srdreg.scid  }
0x8b: {  	s0 =	sand.u32 $0x1, s1  }
0x8c: {  	s17 =	sshll.u32 s0, $0xA;
	s2 =	sadd.s32 s3, s2  }
0x8d: {  	s2 =	sadd.s32 s2, s17  }
0x8e: {  	[smem:$0x3FC2] =	sst s2  }
0x8f: {  	_ = 	snop  }
0x90: {  	s2 =	sld [smem:$0x3FC8]  }
0x91: {  	s18 =	sld [smem:$0x3FD0];
	(tm) =	ssettm $0x1  }
0x92: {  	s4 =	sld [smem:$0x3FFB];
	_ =	sdelay $0x3  }
0x93: {  	_ =	strace s4  }
0x94: {  	s4 =	sld [smem:$0x3FFC];
	_ =	sdelay $0x3  }
0x95: {  	_ =	strace s4  }
0x96: {  	s4 =	sld [smem:$0x3FFD];
	_ =	sdelay $0x3  }
0x97: {  	_ =	strace s4  }
0x98: {  	_ =	strace $0x8FFFFFFF  }
0x99: {  	s19 =	sld [smem:$0x3FDB];
	_ =	sdelay $0x1  }
0x9a: {  	s5 =	simm.s32 $_scs_section_size  }
0x9b: {  	s6 =	simm.s32 $_size__tile_overlayer_lowered;
	s7 =	simm.s32 $_tile_overlayer_lowered  }
0x9c: {  	s22 =	simm.s32 $0x1BFF;
	s21 =	sshll.u32 s7, $0x1;
	s4 =	sadd.s32 s5, s19  }
0x9d: {  	s8 =	simm.s32 $0x0;
	s20 =	sshll.u32 s6, $0x1;
	s6 =	sadd.s32 s21, s4  }
0x9e: {  	[timem:s8], [sflag:s22] =	dma.local [hbm:s6], s20  }
0x9f: {  	_ =	swait.ge [sflag:s22], s20  }
0xa0: {  	s5 =	ssub.s32 $0x0, s20;
	[sflag:s22] =	ssyncset.done $0x0  }
0xa1: {  	[sflag:s22] =	ssyncadd.s32 s5;
	_ =	sdelay $0x1  }
0xa2: {  	s23 =	simm.s32 $0x1B8B  }
0xa3: {  	_ =	swait.ge [sflag:s23], $0x1  }
0xa4: {  	[sflag:s23] =	ssyncset.done $0x0  }
0xa5: {  	s25 =	simm.s32 $0x1B8E;
	s24 =	sld [smem:$0x3FFE];
	[sflag:s23] =	ssyncadd.s32 $0xFFFFFFFF  }
0xa6: {  	s26 =	simm.s32 $execute0_lowered;
	[smem:$0x3FD2] =	sst s25  }
0xa7: {  	s6 =	sshll.u32 s26, $0x1;
	_ =	strace $0x80000046;
	[dreg:$0x1] =	wrdreg $0xFFFFFFFF  }
0xa8: {  	s28 =	simm.s32 $_size_execute0_lowered;
	s4 =	sadd.s32 s4, s6;
	[dreg:$0x0] =	wrdreg $0x0  }
0xa9: {  	s6 =	sshll.u32 s28, $0x1;
	[dreg:$0x2] =	wrdreg s4  }
0xaa: {  	[dreg:$0x3] =	wrdreg s6  }
0xab: {  	[dreg:$0x4] =	wrdreg $0xC0  }
0xac: {  	_ =	task [dreg:s8], $0x5FFFF  }
0xad: {  	[dreg:$0x1] =	wrdreg $0xFFFFFFFF  }
0xae: {  	[dreg:$0x0] =	wrdreg $0x60  }
0xaf: {  	[dreg:$0x2] =	wrdreg s24  }
0xb0: {  	[dreg:$0x3] =	wrdreg s2  }
0xb1: {  	[dreg:$0x4] =	wrdreg s18  }
0xb2: {  	[dreg:$0x5] =	wrdreg $0x9  }
0xb3: {  	_ =	task.clear_ibuf [dreg:s8], $0x6FFFF;
	_ =	strace $0x90000046  }
0xb4: {  	s29 =	simm.s32 $0x9;
	_ =	strace $0x80000048  }
0xb5: {  	_ =	swait.ge [sflag:s29], $0x1  }
0xb6: {  	[sflag:s29] =	ssyncadd.s32 $0xFFFFFFFF  }
0xb7: {  	_ =	strace $0x90000048  }
0xb8: {  	_ =	sfence  }
0xb9: {  	s30 =	sld [smem:$0x0];
	_ =	sdelay $0x2  }
0xba: {  	s31 =	sshll.u32 s1, $0xD;
	s1 =	sshrl.u32 s1, $0x2  }
0xbb: {  	s3 =	sand.u32 $0x4000, s31;
	s1 =	sadd.s32 s1, s30  }
0xbc: {  	s0 =	sor.u32 s3, s0;
	s1 =	sshll.u32 s1, $0x11  }
0xbd: {  	s0 =	sor.u32 s1, s0  }
0xbe: {  	s0 =	sadd.s32 $0x8F2B, s0  }
0xbf: {  	[sflag:s0] =	ssyncadd.remote.s32 $0x1  }
0xc0: {  	_ =	sfence.sel $0xFFFF  }
0xc1: {  	[dreg:$0x0] =	wrdreg $0xFFFFFFFF;
	(pc) =	sbr.abs _section_cstart, $3  }
0xc2: {  	[dreg:$0x1] =	wrdreg $0xFFFFFFFF  }
0xc3: {  	_ =	task.clear_ibuf [dreg:s8], $0x2FFFF;
	_ =	strace $0x9FFFFFFF  }
0xc4: {  	(tm) =	ssettm $0x7FFFFFFF  }
0xc5: {  	_ =	shalt  }
tec
execute0_lowered:
.L_overlay_start_1:
0x0: {  	(tag) =	ssettag $0x1  }
0x1: {  	s5 =	rddreg [dreg:$0x0]  }
0x2: {  	s1 =	srdreg.scid;
	s6 =	rddreg [dreg:$0x1]  }
0x3: {  	s0 =	stileid.u32;
	s2 =	rddreg [dreg:$0x2]  }
0x4: {  	s3 =	simm.s32 $0x0;
	s10 =	simm.s32 $0x1;
	s11 =	simm.s32 $0x2  }
0x5: {  	s12 =	simm.s32 $0x0;
	s4 =	sand.u32 $0x1, s1;
	s30 =	sshll.u32 s0, $0x1  }
.Ltmp0:
0x6: {  	s1 =	rddreg [dreg:$0x3];
	s7 =	sor.u32 s4, s30;
	(pc) =	sbr.rel .LBB2_1-.Ltmp0, $4  }
0x7: {  	[smem:$0x7FF] =	sst s3;
	s8 =	ssub.s32 $0x2, s4;
	s7 =	smul.u32 $0x188, s7  }
0x8: {  	s5 =	sadd.s32 $0xE00, s5;
	_ =	strace $0x80000047;
	s9 =	sshrl.u32 s8, $0x1  }
0x9: {  	s31 =	ssub.s32 s8, s9;
	s8 =	simm.s32 $0x3;
	s4 =	smin.u32 s7, $0x2F4C  }
0xa: {  	s9 =	simm.s32 $0xC80;
	s7 =	smax.u32 s31, $0x1;
	s6 =	sadd.s32 s6, s4  }
.LBB2_12:
0xb: {  	s12 =	sadd.s32 $0x1, s12  }
0xc: {  	_ =	swait.ge [sflag:s10], $0x7000;
	p0 =	sne.s32 s12, s7  }
.Ltmp1:
0xd: {  	[sflag:s10] =	ssyncset.done $0x0;
	(pc) =	sbr.rel @!p0 .LBB2_13-.Ltmp1, $4  }
0xe: {  	[sflag:s10] =	ssyncadd.s32 $0xFFFF9000  }
0xf: {  	_ =	swait.ge [sflag:s11], $0x7000  }
0x10: {  	[sflag:s11] =	ssyncset.done $0x0  }
0x11: {  	[sflag:s11] =	ssyncadd.s32 $0xFFFF9000  }
.LBB2_1:
0x12: {  	[tilespmem:s3], [sflag:$0x3] =	stream.linear.gather [hbm4b:s6+s3], $0xC40, $0x38;
	[tilespmem:$0x16C80] =	vst v63  }
0x13: {  	_ =	swait.ge [sflag:s8], $0xC40  }
0x14: {  	[sflag:s8] =	ssyncset.done $0x0  }
.Ltmp2:
0x15: {  	[sflag:s8] =	ssyncadd.s32 $0xFFFFF3C0;
	(pc) =	sbr.rel .LBB2_2-.Ltmp2, $4  }
0x16: {  	[tilespmem:s9], [sflag:$0x3] =	stream.linear.gather [hbm4b:s5+s3], $0x8000, $0x38;
	[tilespmem:$0x16C80] =	vst v63  }
0x17: {  	_ =	swait.ge [sflag:s8], $0x8000  }
0x18: {  	p0 =	por $0x0, $0x0;
	[sflag:s8] =	ssyncset.done $0x0  }
0x19: {  	s13 =	simm.s32 $0x0;
	s14 =	simm.s32 $0x0;
	[sflag:s8] =	ssyncadd.s32 $0xFFFF8000  }
.LBB2_11:
0x1a: {  	s14 =	sadd.s32 $0x1, s14  }
0x1b: {  	s17 =	smul.u32 $0x1C000, s15;
	p1 =	sne.s32 s14, $0xE  }
.Ltmp3:
0x1c: {  	s16 =	sshrl.u32 s16, $0x3;
	(pc) =	sbr.rel @!p1 .LBB2_12-.Ltmp3, $4  }
0x1d: {  	s31 =	sadd.s32 $0x1, s15;
	s16 =	sadd.s32 s4, s16  }
0x1e: {  	s13 =	sadd.s32 $0xFFFFFFFF, s13;
	s17 =	sshrl.u32 s17, $0x2;
	s16 =	sshll.u32 s16, $0x7  }
0x1f: {  	p0 =	por !p0, !p0;
	s17 =	sor.u32 $0x8C80, s17;
	s16 =	sadd.s32 s2, s16  }
0x20: {  	[hbm4b:s16+s3] =	stream.linear.scatter [tilespmem:s17], [sflag:s31], $0x7000, $0x38;
	[tilespmem:$0x16C80] =	vst v63  }
.LBB2_2:
0x21: {  	s15 =	sand.u32 $0x1, s14;
	p1 =	slt.u32 s14, $0x2  }
0x22: {  	s17 =	sadd.s32 @!p1 $0x1, s15  }
0x23: {  	_ =	swait.ge @!p1 [sflag:s17], $0x7000  }
0x24: {  	s16 =	smul.u32 $0xE0, s14;
	[sflag:s17] =	ssyncset.done @!p1 $0x0  }
0x25: {  	[sflag:s17] =	ssyncadd.s32 @!p1 $0xFFFF9000  }
0x26: {  	v0 =	vld [tilespmem:s16+$0x0]  }
0x27: {  	v1 =	vld [tilespmem:s16+$0xDF];
	_ =	sdelay $0x3  }
0x28: {  	(v2sf) =	vpush v0, $0x0  }
0x29: {  	(v2sf) =	vpush v1, $0x0;
	_ =	sdelay $0xd  }
0x2a: {  	s18 =	spop (v2sf)  }
0x2b: {  	s17 =	spop (v2sf)  }
0x2c: {  	s19 =	sadd.s32 $0x1, s17  }
0x2d: {  	p1 =	sge.s32 s18, s19  }
.Ltmp4:
0x2e: {  	_ = 	snop;
	(pc) =	sbr.rel @p1 .LBB2_11-.Ltmp4, $1  }
0x2f: {  	_ =	sdelay $0x3  }
0x30: {  	s19 =	simm.s32 $0x1  }
0x31: {  	s19 =	simm.s32 @!p0 $0x0  }
.Ltmp5:
0x32: {  	s19 =	sadd.s32 s19, s13;
	(pc) =	sbr.rel .LBB2_4-.Ltmp5, $3  }
0x33: {  	s19 =	smul.u32 $0x1C000, s19;
	_ =	sdelay $0x1  }
0x34: {  	s22 =	smov.u32 s16;
	s20 =	sshra.s32 s19, $0x2  }
0x35: {  	s21 =	smov.u32 s16;
	s19 =	sadd.s32 $0xE0, s16;
	s20 =	sadd.s32 $0x8CC0, s20  }
.LBB2_9:
0x36: {  	[tilespmem:s23+$0xFFFFFFD0] =	vst v0  }
.LBB2_10:
0x37: {  	p1 =	sne.s32 s18, s17  }
.Ltmp6:
0x38: {  	_ = 	snop;
	(pc) =	sbr.rel @!p1 .LBB2_11-.Ltmp6, $3  }
0x39: {  	_ =	sdelay $0x1  }
0x3a: {  	s23 =	sadd.s32 $0x1, s18  }
0x3b: {  	s22 =	smov.u32 s21;
	s18 =	smov.u32 s23  }
.LBB2_4:
0x3c: {  	p1 =	sge.s32 s22, s19  }
.Ltmp7:
0x3d: {  	_ = 	snop;
	(pc) =	sbr.rel @p1 .LBB2_6-.Ltmp7, $2  }
0x3e: {  	_ =	sdelay $0x2  }
0x3f: {  	s23 =	smov.u32 s19  }
.LBB2_5:
0x40: {  	s29 =	sadd.s32 s21, s23  }
0x41: {  	s25 =	sand.u32 $0x1, s29  }
0x42: {  	p1 =	slt.s32 s29, $0x1;
	p2 =	seq.s32 s25, $0x1  }
0x43: {  	s24 =	smov.u32 s21;
	s30 =	sshrl.u32 s29, $0x1F;
	p1 =	por !p1, !p2  }
0x44: {  	s21 =	sadd.s32 s30, s29;
	s25 =	simm.s32 $0x1;
	p1 =	por !p1, !p1  }
0x45: {  	s21 =	sshra.s32 s21, $0x1;
	s25 =	simm.s32 @!p1 $0x0  }
0x46: {  	s25 =	ssub.s32 s21, s25  }
0x47: {  	v0 =	vld [tilespmem:s25+$0x0];
	_ =	sdelay $0x4  }
0x48: {  	(v2sf) =	vpush v0, $0x0;
	_ =	sdelay $0xe  }
0x49: {  	s31 =	spop (v2sf)  }
0x4a: {  	s21 =	sadd.s32 $0x1, s25;
	p1 =	sgt.s32 s31, s18  }
0x4b: {  	s21 =	smov.u32 @p1 s24;
	s23 =	smov.u32 @p1 s25  }
0x4c: {  	p1 =	slt.s32 s21, s23  }
.Ltmp8:
0x4d: {  	_ = 	snop;
	(pc) =	sbr.rel @p1 .LBB2_5-.Ltmp8, $1  }
0x4e: {  	_ =	sdelay $0x3  }
.LBB2_6:
0x4f: {  	p1 =	sle.s32 s21, s22  }
.Ltmp9:
0x50: {  	_ = 	snop;
	(pc) =	sbr.rel @p1 .LBB2_10-.Ltmp9, $1  }
0x51: {  	_ =	sdelay $0x3  }
0x52: {  	s23 =	sshll.u32 s18, $0x9  }
0x53: {  	s23 =	sshra.s32 s23, $0x2  }
0x54: {  	v1 =	vld [tilespmem:s23+$0xC80]  }
0x55: {  	v0 =	vld [tilespmem:s23+$0xC90]  }
0x56: {  	v2 =	vld [tilespmem:s23+$0xCA0]  }
0x57: {  	v3 =	vld [tilespmem:s23+$0xCB0]  }
0x58: {  	v4 =	vld [tilespmem:s23+$0xCF0]  }
0x59: {  	s24 =	sshll.u32 s22, $0x9;
	v5 =	vld [tilespmem:s23+$0xCE0]  }
0x5a: {  	s24 =	sshra.s32 s24, $0x2;
	v6 =	vld [tilespmem:s23+$0xCD0]  }
0x5b: {  	v7 =	vld [tilespmem:s23+$0xCC0];
	s23 =	sadd.s32 s24, s20  }
0x5c: {  	s31 =	ssub.s32 s21, s22;
	[tilespmem:s23+$0xFFFFFFC0] =	vst v1  }
0x5d: {  	p1 =	sne.s32 s31, $0x1;
	[tilespmem:s23+$0x30] =	vst v4  }
.Ltmp10:
0x5e: {  	[tilespmem:s23+$0x20] =	vst v5;
	(pc) =	sbr.rel @!p1 .LBB2_9-.Ltmp10, $4  }
0x5f: {  	[tilespmem:s23+$0x10] =	vst v6  }
0x60: {  	[tilespmem:s23+$0x0] =	vst v7  }
0x61: {  	[tilespmem:s23+$0xFFFFFFF0] =	vst v3  }
0x62: {  	s22 =	sadd.s32 $0xFFFFFFFF, s31;
	[tilespmem:s23+$0xFFFFFFE0] =	vst v2  }
.LBB2_8:
0x63: {  	p1 =	sne.s32 s22, $0x1;
	s22 =	sadd.s32 $0xFFFFFFFF, s22;
	[tilespmem:s23+$0xFFFFFFD0] =	vst v0;
	s23 =	sadd.s32 $0x80, s23  }
0x64: {  	[tilespmem:s23+$0xFFFFFFC0] =	vst v1  }
0x65: {  	[tilespmem:s23+$0x30] =	vst v4  }
.Ltmp11:
0x66: {  	[tilespmem:s23+$0x20] =	vst v5;
	(pc) =	sbr.rel @p1 .LBB2_8-.Ltmp11, $4  }
0x67: {  	[tilespmem:s23+$0x10] =	vst v6  }
0x68: {  	[tilespmem:s23+$0x0] =	vst v7  }
0x69: {  	[tilespmem:s23+$0xFFFFFFF0] =	vst v3  }
0x6a: {  	[tilespmem:s23+$0xFFFFFFE0] =	vst v2  }
.Ltmp12:
0x6b: {  	_ = 	snop;
	(pc) =	sbr.rel .LBB2_9-.Ltmp12, $1  }
0x6c: {  	_ =	sdelay $0x3  }
.LBB2_13:
0x6d: {  	_ =	sfence.sel $0x180000  }
0x6e: {  	[bflag:$0x0] =	sbarrier.arrive $0xFFFF  }
0x6f: {  	p0 =	sne.s32 s0, $0x0;
	_ =	strace $0x90000047  }
0x70: {  	s0 =	sadd.s32 @!p0 $0x100000, s1;
	[bflag:$0x2] =	sbarrier.arrive $0xFFFF  }
0x71: {  	[sflag:s0] =	ssyncadd.tile.s32 @!p0 $0x1;
	_ =	shalt  }
.Lfunc_end2:
_tile_overlayer_lowered:
.L_overlay_start_2:
0x72: {  	(tag) =	ssettag $0x2  }
0x73: {  	s0 =	rddreg [dreg:$0x0];
	s2 =	stileid.u32  }
0x74: {  	s1 =	rddreg [dreg:$0x1];
	p0 =	sne.s32 s2, $0x0  }
0x75: {  	s3 =	rddreg [dreg:$0x2];
	[bflag:$0x3] =	sbarrier.arrive $0xFFFF;
	s2 =	simm.s32 @!p0 $0x1C03  }
0x76: {  	[timem:s3], [sflag:s2] =	dma.local @!p0 [hbm:s0], s1  }
0x77: {  	s0 =	simm.s32 @!p0 $0x3  }
0x78: {  	_ =	swait.ge @!p0 [sflag:s0], s1  }
0x79: {  	s1 =	ssub.s32 @!p0 $0x0, s1;
	[sflag:s0] =	ssyncset.done @!p0 $0x0  }
0x7a: {  	[sflag:s0] =	ssyncadd.s32 @!p0 s1  }
0x7b: {  	[bflag:$0x3] =	sbarrier.arrive $0xFFFF  }
0x7c: {  	_ =	shalt  }

</sc_bundles>
